<compile_context>
chip_gen: v7x
topology: tpu7x:2x2x1
jax: 0.10.2.dev20260603
libtpu: 0.0.44.dev20260713+nightly
codegen_flags: <defaults>
</compile_context>

<pallas_src>
import jax
import jax.numpy as jnp
from jax import lax
from jax.experimental import pallas as pl
from jax.experimental.pallas import tpu as pltpu
from jax.experimental.pallas import tpu_sc as plsc

_MAX = 2048
_C = 128
_CZ = 32
_NBUF = 3


def _build(T, D, B):
    ROWS = B * _MAX
    NCHUNK = ROWS // _C
    CPS = _MAX // _C
    info = plsc.get_sparse_core_info()
    NW = info.num_cores * info.num_subcores
    CPW = NCHUNK // NW
    assert NCHUNK % NW == 0 and T % 8 == 0 and D % 16 == 0

    mesh = plsc.VectorSubcoreMesh(core_axis_name="c", subcore_axis_name="s")

    def body(flat_hbm, params_hbm, zeros_hbm, out_hbm,
             cu_v, b0, b1, b2, zbuf, winbuf,
             semZ, sr0, sr1, sr2, sw0, sw1, sw2, semWZ):
        bufs = [b0, b1, b2]
        semR = [sr0, sr1, sr2]
        semW = [sw0, sw1, sw2]
        wid = lax.axis_index("s") * info.num_cores + lax.axis_index("c")

        zcopy = pltpu.make_async_copy(zeros_hbm, zbuf, semZ)
        zcopy.start()
        pltpu.sync_copy(params_hbm, cu_v)

        def scal(i):
            return cu_v[pl.ds(i, 16)][0]

        off = scal(B + 1)

        full, empty, partial, src0s, row0s, los, his = [], [], [], [], [], [], []
        for j in range(CPW):
            k = NW * j + (wid + 2 * NW - 4 * j) % NW
            row0s.append(k * _C)
            b = k // CPS
            p0 = (k % CPS) * _C
            cu_b = scal(b)
            ln = scal(b + 1) - cu_b
            lo = jnp.clip(off - p0, 0, _C)
            hi = jnp.maximum(jnp.clip(off + ln - p0, 0, _C), lo)
            los.append(lo)
            his.append(hi)
            src0s.append(cu_b + p0 - off)
            f = jnp.logical_and(lo == 0, hi == _C)
            e = hi == lo
            full.append(f)
            empty.append(e)
            partial.append(jnp.logical_and(jnp.logical_not(f),
                                           jnp.logical_not(e)))

        def read(j):
            i = j % _NBUF
            src = pl.multiple_of(src0s[j], 8)
            return pltpu.make_async_copy(
                flat_hbm.at[pl.ds(src, _C)], bufs[i], semR[i])

        def write(j):
            i = j % _NBUF
            return pltpu.make_async_copy(
                bufs[i], out_hbm.at[pl.ds(row0s[j], _C)], semW[i])

        def zwrites(j):
            return [pltpu.make_async_copy(
                        zbuf, out_hbm.at[pl.ds(row0s[j] + i * _CZ, _CZ)],
                        semWZ)
                    for i in range(_C // _CZ)]

        for j in range(min(_NBUF, CPW)):
            @pl.when(full[j])
            def _(j=j):
                read(j).start()

        zcopy.wait()

        for j in range(CPW):
            @pl.when(full[j])
            def _(j=j):
                read(j).wait()
                write(j).start()

            @pl.when(empty[j])
            def _(j=j):
                for zc in zwrites(j):
                    zc.start()

            @pl.when(partial[j])
            def _(j=j):
                src0, row0, lo, hi = src0s[j], row0s[j], los[j], his[j]
                for zc in zwrites(j):
                    zc.start()
                for zc in zwrites(j):
                    zc.wait()
                lo8 = (lo + 7) // 8 * 8
                hi8 = hi // 8 * 8

                def gbody(g, carry):
                    r = g * 8

                    @pl.when(jnp.logical_and(r >= lo8, r < hi8))
                    def _():
                        s = pl.multiple_of(src0 + r, 8)
                        pltpu.sync_copy(flat_hbm.at[pl.ds(s, 8)], winbuf)
                        pltpu.sync_copy(winbuf,
                                        out_hbm.at[pl.ds(row0 + r, 8)])
                    return carry
                lax.fori_loop(0, _C // 8, gbody, 0)

            jn = j + _NBUF
            if jn < CPW:
                @pl.when(jnp.logical_and(full[jn], full[j]))
                def _(j=j):
                    write(j).wait()

                @pl.when(full[jn])
                def _(jn=jn):
                    read(jn).start()

        for j in range(CPW):
            jn = j + _NBUF
            if jn < CPW:
                drain = jnp.logical_and(full[j], jnp.logical_not(full[jn]))
            else:
                drain = full[j]

            @pl.when(drain)
            def _(j=j):
                write(j).wait()

            @pl.when(empty[j])
            def _(j=j):
                for zc in zwrites(j):
                    zc.wait()

    return pl.kernel(
        body,
        mesh=mesh,
        out_type=jax.ShapeDtypeStruct((ROWS, D), jnp.float32),
        scratch_types=(
            [pltpu.VMEM((32,), jnp.int32)]
            + [pltpu.VMEM((_C, D), jnp.float32) for _ in range(_NBUF)]
            + [pltpu.VMEM((_CZ, D), jnp.float32),
               pltpu.VMEM((8, D), jnp.float32)]
            + [pltpu.SemaphoreType.DMA for _ in range(2 * _NBUF + 2)]
        ),
    )


def kernel(flat, cu_seqlens, max_seqlen):
    T, D = flat.shape
    B = cu_seqlens.shape[0] - 1
    off = jnp.asarray(max_seqlen, jnp.int32) - jnp.int32(_MAX)
    params = (jnp.zeros((32,), jnp.int32)
              .at[: B + 1].set(cu_seqlens.astype(jnp.int32))
              .at[B + 1].set(off))
    zeros = jnp.zeros((_CZ, D), jnp.float32)
    out2d = _build(T, D, B)(flat, params, zeros)
    return out2d.reshape(B, _MAX, D)

# --- scband reference (transcript-rebuilt; emitter-appended) ---
"""Pipeline reference for scband-cast-ragged-to-tensor-68796786148063 (READ-ONLY COPY).

The authoritative reference and input builder live on the scoring server;
editing this copy changes nothing except your own understanding.
"""

import jax, jax.numpy as jnp
import numpy as np


def setup_inputs(seed: int = 0) -> dict:
    key = jax.random.key(seed)
    total_tokens, d = 8192, 256
    flat = jax.random.normal(key, (total_tokens, d), dtype=jnp.float32)
    # Valid ragged row lengths summing to total_tokens, each <= max_seqlen=2048
    lengths = np.array([512, 1536, 1024, 768, 1280, 896, 1152, 1024], dtype=np.int64)
    assert int(lengths.sum()) == total_tokens
    cu_seqlens = jnp.asarray(np.concatenate([[0], np.cumsum(lengths)]).astype(np.int32))
    return {"flat": flat, "cu_seqlens": cu_seqlens, "max_seqlen": 2048}


def reference(flat, cu_seqlens, max_seqlen):
    # CastRaggedToTensor: ragged (B, None, F) -> dense (B, max_seqlen, F) with zero padding.
    # Ragged represented as flat values [T, F] + cu_seqlens [B+1].
    T, d = flat.shape
    B = cu_seqlens.shape[0] - 1
    MAX_SEQLEN = 2048
    tok = jnp.arange(T)
    # batch id of each flat token
    seg_ids = jnp.searchsorted(cu_seqlens[1:], tok, side='right')
    # position within its row
    pos = tok - cu_seqlens[seg_ids]
    pos = pos + (jnp.asarray(max_seqlen) - MAX_SEQLEN).astype(pos.dtype)
    dense = jnp.zeros((B, MAX_SEQLEN, d), dtype=flat.dtype)
    dense = dense.at[seg_ids, pos].set(flat)
    return dense

if __name__ == "__main__":
    import jax
    _d = setup_inputs()
    print(jax.jit(kernel)(*tuple(_d.values())))

</pallas_src>

<mosaic_0001>
#map = affine_map<(d0, d1) -> (0, 0)>
#map1 = affine_map<(d0, d1) -> (0)>
module attributes {stable_mosaic.version = 14 : i64} {
  func.func @body(%arg0: i32, %arg1: i32, %arg2: memref<8192x256xf32, #tpu.memory_space<hbm>>, %arg3: memref<32xi32, #tpu.memory_space<hbm>>, %arg4: memref<32x256xf32, #tpu.memory_space<hbm>>, %arg5: memref<16384x256xf32, #tpu.memory_space<hbm>>, %arg6: memref<32xi32, #tpu.memory_space<vmem>>, %arg7: memref<128x256xf32, #tpu.memory_space<vmem>>, %arg8: memref<128x256xf32, #tpu.memory_space<vmem>>, %arg9: memref<128x256xf32, #tpu.memory_space<vmem>>, %arg10: memref<32x256xf32, #tpu.memory_space<vmem>>, %arg11: memref<8x256xf32, #tpu.memory_space<vmem>>, %arg12: memref<!tpu.dma_semaphore, #tpu.memory_space<semaphore_mem>>, %arg13: memref<!tpu.dma_semaphore, #tpu.memory_space<semaphore_mem>>, %arg14: memref<!tpu.dma_semaphore, #tpu.memory_space<semaphore_mem>>, %arg15: memref<!tpu.dma_semaphore, #tpu.memory_space<semaphore_mem>>, %arg16: memref<!tpu.dma_semaphore, #tpu.memory_space<semaphore_mem>>, %arg17: memref<!tpu.dma_semaphore, #tpu.memory_space<semaphore_mem>>, %arg18: memref<!tpu.dma_semaphore, #tpu.memory_space<semaphore_mem>>, %arg19: memref<!tpu.dma_semaphore, #tpu.memory_space<semaphore_mem>>) attributes {dimension_semantics = [#tpu.dimension_semantics<core_parallel>, #tpu.dimension_semantics<subcore_parallel>], iteration_bounds = array<i64: 2, 16>, scalar_prefetch = 0 : i64, scratch_operands = 14 : i64, tpu.core_type = #tpu.core_type<sc_vector_subcore>, window_params = [{transform_indices = #map}, {transform_indices = #map1}, {transform_indices = #map}, {transform_indices = #map}]} {
    %mul3A = arith.constant 2 : i32
    %mul3A_0 = arith.muli %arg1, %mul3A : i32
    %add3A = arith.addi %mul3A_0, %arg0 : i32
    tpu.enqueue_dma source(%arg4 : memref<32x256xf32, #tpu.memory_space<hbm>>) target(%arg10 : memref<32x256xf32, #tpu.memory_space<vmem>>) target_semaphore(%arg12 : memref<!tpu.dma_semaphore, #tpu.memory_space<semaphore_mem>>)
    "tpu.region"() ({
      %run_scoped3A = tpu.sem_alloc : memref<!tpu.dma_semaphore, #tpu.memory_space<semaphore_mem>>
      tpu.enqueue_dma source(%arg3 : memref<32xi32, #tpu.memory_space<hbm>>) target(%arg6 : memref<32xi32, #tpu.memory_space<vmem>>) target_semaphore(%run_scoped3A : memref<!tpu.dma_semaphore, #tpu.memory_space<semaphore_mem>>)
      tpu.wait_dma2 semaphore(%run_scoped3A : memref<!tpu.dma_semaphore, #tpu.memory_space<semaphore_mem>>) src(%arg3 : memref<32xi32, #tpu.memory_space<hbm>>) dst(%arg6 : memref<32xi32, #tpu.memory_space<vmem>>)
      tpu.yield
    }) : () -> ()
    %get3A = arith.constant 9 : index
    %get3A_1 = tpu.vector_load %arg6[%get3A] {strides = array<i32>} : memref<32xi32, #tpu.memory_space<vmem>>, vector<16xi32>,
    %get3A_2 = vector.shape_cast %get3A_1 : vector<16xi32> to vector<16xi32>
    %slice3A = vector.extract_strided_slice %get3A_2 {offsets = [0], sizes = [1], strides = [1]} : vector<16xi32> to vector<1xi32>
    %squeeze3A = vector.extract %slice3A[0] : i32 from vector<1xi32>
    %add3A_3 = arith.constant 64 : i32
    %add3A_4 = arith.addi %add3A, %add3A_3 : i32
    %sub3A = arith.constant 0 : i32
    %sub3A_5 = arith.subi %add3A_4, %sub3A : i32
    %jit3A = arith.constant 32 : i32
    %eq3A = arith.constant 0 : i32
    %eq3A_6 = arith.cmpi eq, %jit3A, %eq3A : i32
    %jit3A_7 = arith.constant 1 : i32
    %select_n3A = arith.select %eq3A_6, %jit3A_7, %jit3A : i32
    %rem3A = arith.remsi %sub3A_5, %select_n3A : i32
    %ne3A = arith.constant 0 : i32
    %ne3A_8 = arith.cmpi ne, %rem3A, %ne3A : i32
    %lt3A = arith.constant 0 : i32
    %lt3A_9 = arith.cmpi slt, %rem3A, %lt3A : i32
    %lt3A_10 = arith.constant 0 : i32
    %lt3A_11 = arith.cmpi slt, %select_n3A, %lt3A_10 : i32
    %ne3A_12 = arith.xori %lt3A_9, %lt3A_11 : i1
    %and3A = arith.andi %ne3A_12, %ne3A_8 : i1
    %add3A_13 = arith.addi %rem3A, %select_n3A : i32
    %select_n3A_14 = arith.select %and3A, %add3A_13, %rem3A : i32
    %add3A_15 = arith.constant 0 : i32
    %add3A_16 = arith.addi %add3A_15, %select_n3A_14 : i32
    %mul3A_17 = arith.constant 128 : i32
    %mul3A_18 = arith.muli %add3A_16, %mul3A_17 : i32
    %jit3A_19 = arith.constant 16 : i32
    %div3A = arith.divsi %add3A_16, %jit3A_19 : i32
    %sign3A = arith.constant 0 : i32
    %sign3A_20 = arith.cmpi sgt, %add3A_16, %sign3A : i32
    %sign3A_21 = arith.extui %sign3A_20 : i1 to i32
    %sign3A_22 = arith.constant 0 : i32
    %sign3A_23 = arith.cmpi slt, %add3A_16, %sign3A_22 : i32
    %sign3A_24 = arith.extui %sign3A_23 : i1 to i32
    %sign3A_25 = arith.subi %sign3A_21, %sign3A_24 : i32
    %sign3A_26 = arith.constant 0 : i32
    %sign3A_27 = arith.cmpi sgt, %jit3A_19, %sign3A_26 : i32
    %sign3A_28 = arith.extui %sign3A_27 : i1 to i32
    %sign3A_29 = arith.constant 0 : i32
    %sign3A_30 = arith.cmpi slt, %jit3A_19, %sign3A_29 : i32
    %sign3A_31 = arith.extui %sign3A_30 : i1 to i32
    %sign3A_32 = arith.subi %sign3A_28, %sign3A_31 : i32
    %ne3A_33 = arith.cmpi ne, %sign3A_25, %sign3A_32 : i32
    %rem3A_34 = arith.remsi %add3A_16, %jit3A_19 : i32
    %ne3A_35 = arith.constant 0 : i32
    %ne3A_36 = arith.cmpi ne, %rem3A_34, %ne3A_35 : i32
    %and3A_37 = arith.andi %ne3A_33, %ne3A_36 : i1
    %sub3A_38 = arith.constant 1 : i32
    %sub3A_39 = arith.subi %div3A, %sub3A_38 : i32
    %select_n3A_40 = arith.select %and3A_37, %sub3A_39, %div3A : i32
    %jit3A_41 = arith.constant 16 : i32
    %eq3A_42 = arith.constant 0 : i32
    %eq3A_43 = arith.cmpi eq, %jit3A_41, %eq3A_42 : i32
    %jit3A_44 = arith.constant 1 : i32
    %select_n3A_45 = arith.select %eq3A_43, %jit3A_44, %jit3A_41 : i32
    %rem3A_46 = arith.remsi %add3A_16, %select_n3A_45 : i32
    %ne3A_47 = arith.constant 0 : i32
    %ne3A_48 = arith.cmpi ne, %rem3A_46, %ne3A_47 : i32
    %lt3A_49 = arith.constant 0 : i32
    %lt3A_50 = arith.cmpi slt, %rem3A_46, %lt3A_49 : i32
    %lt3A_51 = arith.constant 0 : i32
    %lt3A_52 = arith.cmpi slt, %select_n3A_45, %lt3A_51 : i32
    %ne3A_53 = arith.xori %lt3A_50, %lt3A_52 : i1
    %and3A_54 = arith.andi %ne3A_53, %ne3A_48 : i1
    %add3A_55 = arith.addi %rem3A_46, %select_n3A_45 : i32
    %select_n3A_56 = arith.select %and3A_54, %add3A_55, %rem3A_46 : i32
    %mul3A_57 = arith.constant 128 : i32
    %mul3A_58 = arith.muli %select_n3A_56, %mul3A_57 : i32
    %get3A_59 = arith.index_cast %select_n3A_40 : i32 to index
    %get3A_60 = tpu.vector_load %arg6[%get3A_59] {strides = array<i32>} : memref<32xi32, #tpu.memory_space<vmem>>, vector<16xi32>,
    %get3A_61 = vector.shape_cast %get3A_60 : vector<16xi32> to vector<16xi32>
    %slice3A_62 = vector.extract_strided_slice %get3A_61 {offsets = [0], sizes = [1], strides = [1]} : vector<16xi32> to vector<1xi32>
    %squeeze3A_63 = vector.extract %slice3A_62[0] : i32 from vector<1xi32>
    %add3A_64 = arith.constant 1 : i32
    %add3A_65 = arith.addi %select_n3A_40, %add3A_64 : i32
    %get3A_66 = arith.index_cast %add3A_65 : i32 to index
    %get3A_67 = tpu.vector_load %arg6[%get3A_66] {strides = array<i32>} : memref<32xi32, #tpu.memory_space<vmem>>, vector<16xi32>,
    %get3A_68 = vector.shape_cast %get3A_67 : vector<16xi32> to vector<16xi32>
    %slice3A_69 = vector.extract_strided_slice %get3A_68 {offsets = [0], sizes = [1], strides = [1]} : vector<16xi32> to vector<1xi32>
    %squeeze3A_70 = vector.extract %slice3A_69[0] : i32 from vector<1xi32>
    %sub3A_71 = arith.subi %squeeze3A_70, %squeeze3A_63 : i32
    %sub3A_72 = arith.subi %squeeze3A, %mul3A_58 : i32
    %jit3A_73 = arith.constant 0 : i32
    %jit3A_74 = arith.constant 128 : i32
    %max3A = arith.maxsi %jit3A_73, %sub3A_72 : i32
    %min3A = arith.minsi %jit3A_74, %max3A : i32
    %add3A_75 = arith.addi %squeeze3A, %sub3A_71 : i32
    %sub3A_76 = arith.subi %add3A_75, %mul3A_58 : i32
    %jit3A_77 = arith.constant 0 : i32
    %jit3A_78 = arith.constant 128 : i32
    %max3A_79 = arith.maxsi %jit3A_77, %sub3A_76 : i32
    %min3A_80 = arith.minsi %jit3A_78, %max3A_79 : i32
    %max3A_81 = arith.maxsi %min3A_80, %min3A : i32
    %add3A_82 = arith.addi %squeeze3A_63, %mul3A_58 : i32
    %sub3A_83 = arith.subi %add3A_82, %squeeze3A : i32
    %eq3A_84 = arith.constant 0 : i32
    %eq3A_85 = arith.cmpi eq, %min3A, %eq3A_84 : i32
    %eq3A_86 = arith.constant 128 : i32
    %eq3A_87 = arith.cmpi eq, %max3A_81, %eq3A_86 : i32
    %and3A_88 = arith.andi %eq3A_85, %eq3A_87 : i1
    %eq3A_89 = arith.cmpi eq, %max3A_81, %min3A : i32
    %not3A = arith.constant true
    %not3A_90 = arith.xori %and3A_88, %not3A : i1
    %not3A_91 = arith.constant true
    %not3A_92 = arith.xori %eq3A_89, %not3A_91 : i1
    %and3A_93 = arith.andi %not3A_90, %not3A_92 : i1
    %add3A_94 = arith.constant 64 : i32
    %add3A_95 = arith.addi %add3A, %add3A_94 : i32
    %sub3A_96 = arith.constant 4 : i32
    %sub3A_97 = arith.subi %add3A_95, %sub3A_96 : i32
    %jit3A_98 = arith.constant 32 : i32
    %eq3A_99 = arith.constant 0 : i32
    %eq3A_100 = arith.cmpi eq, %jit3A_98, %eq3A_99 : i32
    %jit3A_101 = arith.constant 1 : i32
    %select_n3A_102 = arith.select %eq3A_100, %jit3A_101, %jit3A_98 : i32
    %rem3A_103 = arith.remsi %sub3A_97, %select_n3A_102 : i32
    %ne3A_104 = arith.constant 0 : i32
    %ne3A_105 = arith.cmpi ne, %rem3A_103, %ne3A_104 : i32
    %lt3A_106 = arith.constant 0 : i32
    %lt3A_107 = arith.cmpi slt, %rem3A_103, %lt3A_106 : i32
    %lt3A_108 = arith.constant 0 : i32
    %lt3A_109 = arith.cmpi slt, %select_n3A_102, %lt3A_108 : i32
    %ne3A_110 = arith.xori %lt3A_107, %lt3A_109 : i1
    %and3A_111 = arith.andi %ne3A_110, %ne3A_105 : i1
    %add3A_112 = arith.addi %rem3A_103, %select_n3A_102 : i32
    %select_n3A_113 = arith.select %and3A_111, %add3A_112, %rem3A_103 : i32
    %add3A_114 = arith.constant 32 : i32
    %add3A_115 = arith.addi %add3A_114, %select_n3A_113 : i32
    %mul3A_116 = arith.constant 128 : i32
    %mul3A_117 = arith.muli %add3A_115, %mul3A_116 : i32
    %jit3A_118 = arith.constant 16 : i32
    %div3A_119 = arith.divsi %add3A_115, %jit3A_118 : i32
    %sign3A_120 = arith.constant 0 : i32
    %sign3A_121 = arith.cmpi sgt, %add3A_115, %sign3A_120 : i32
    %sign3A_122 = arith.extui %sign3A_121 : i1 to i32
    %sign3A_123 = arith.constant 0 : i32
    %sign3A_124 = arith.cmpi slt, %add3A_115, %sign3A_123 : i32
    %sign3A_125 = arith.extui %sign3A_124 : i1 to i32
    %sign3A_126 = arith.subi %sign3A_122, %sign3A_125 : i32
    %sign3A_127 = arith.constant 0 : i32
    %sign3A_128 = arith.cmpi sgt, %jit3A_118, %sign3A_127 : i32
    %sign3A_129 = arith.extui %sign3A_128 : i1 to i32
    %sign3A_130 = arith.constant 0 : i32
    %sign3A_131 = arith.cmpi slt, %jit3A_118, %sign3A_130 : i32
    %sign3A_132 = arith.extui %sign3A_131 : i1 to i32
    %sign3A_133 = arith.subi %sign3A_129, %sign3A_132 : i32
    %ne3A_134 = arith.cmpi ne, %sign3A_126, %sign3A_133 : i32
    %rem3A_135 = arith.remsi %add3A_115, %jit3A_118 : i32
    %ne3A_136 = arith.constant 0 : i32
    %ne3A_137 = arith.cmpi ne, %rem3A_135, %ne3A_136 : i32
    %and3A_138 = arith.andi %ne3A_134, %ne3A_137 : i1
    %sub3A_139 = arith.constant 1 : i32
    %sub3A_140 = arith.subi %div3A_119, %sub3A_139 : i32
    %select_n3A_141 = arith.select %and3A_138, %sub3A_140, %div3A_119 : i32
    %jit3A_142 = arith.constant 16 : i32
    %eq3A_143 = arith.constant 0 : i32
    %eq3A_144 = arith.cmpi eq, %jit3A_142, %eq3A_143 : i32
    %jit3A_145 = arith.constant 1 : i32
    %select_n3A_146 = arith.select %eq3A_144, %jit3A_145, %jit3A_142 : i32
    %rem3A_147 = arith.remsi %add3A_115, %select_n3A_146 : i32
    %ne3A_148 = arith.constant 0 : i32
    %ne3A_149 = arith.cmpi ne, %rem3A_147, %ne3A_148 : i32
    %lt3A_150 = arith.constant 0 : i32
    %lt3A_151 = arith.cmpi slt, %rem3A_147, %lt3A_150 : i32
    %lt3A_152 = arith.constant 0 : i32
    %lt3A_153 = arith.cmpi slt, %select_n3A_146, %lt3A_152 : i32
    %ne3A_154 = arith.xori %lt3A_151, %lt3A_153 : i1
    %and3A_155 = arith.andi %ne3A_154, %ne3A_149 : i1
    %add3A_156 = arith.addi %rem3A_147, %select_n3A_146 : i32
    %select_n3A_157 = arith.select %and3A_155, %add3A_156, %rem3A_147 : i32
    %mul3A_158 = arith.constant 128 : i32
    %mul3A_159 = arith.muli %select_n3A_157, %mul3A_158 : i32
    %get3A_160 = arith.index_cast %select_n3A_141 : i32 to index
    %get3A_161 = tpu.vector_load %arg6[%get3A_160] {strides = array<i32>} : memref<32xi32, #tpu.memory_space<vmem>>, vector<16xi32>,
    %get3A_162 = vector.shape_cast %get3A_161 : vector<16xi32> to vector<16xi32>
    %slice3A_163 = vector.extract_strided_slice %get3A_162 {offsets = [0], sizes = [1], strides = [1]} : vector<16xi32> to vector<1xi32>
    %squeeze3A_164 = vector.extract %slice3A_163[0] : i32 from vector<1xi32>
    %add3A_165 = arith.constant 1 : i32
    %add3A_166 = arith.addi %select_n3A_141, %add3A_165 : i32
    %get3A_167 = arith.index_cast %add3A_166 : i32 to index
    %get3A_168 = tpu.vector_load %arg6[%get3A_167] {strides = array<i32>} : memref<32xi32, #tpu.memory_space<vmem>>, vector<16xi32>,
    %get3A_169 = vector.shape_cast %get3A_168 : vector<16xi32> to vector<16xi32>
    %slice3A_170 = vector.extract_strided_slice %get3A_169 {offsets = [0], sizes = [1], strides = [1]} : vector<16xi32> to vector<1xi32>
    %squeeze3A_171 = vector.extract %slice3A_170[0] : i32 from vector<1xi32>
    %sub3A_172 = arith.subi %squeeze3A_171, %squeeze3A_164 : i32
    %sub3A_173 = arith.subi %squeeze3A, %mul3A_159 : i32
    %jit3A_174 = arith.constant 0 : i32
    %jit3A_175 = arith.constant 128 : i32
    %max3A_176 = arith.maxsi %jit3A_174, %sub3A_173 : i32
    %min3A_177 = arith.minsi %jit3A_175, %max3A_176 : i32
    %add3A_178 = arith.addi %squeeze3A, %sub3A_172 : i32
    %sub3A_179 = arith.subi %add3A_178, %mul3A_159 : i32
    %jit3A_180 = arith.constant 0 : i32
    %jit3A_181 = arith.constant 128 : i32
    %max3A_182 = arith.maxsi %jit3A_180, %sub3A_179 : i32
    %min3A_183 = arith.minsi %jit3A_181, %max3A_182 : i32
    %max3A_184 = arith.maxsi %min3A_183, %min3A_177 : i32
    %add3A_185 = arith.addi %squeeze3A_164, %mul3A_159 : i32
    %sub3A_186 = arith.subi %add3A_185, %squeeze3A : i32
    %eq3A_187 = arith.constant 0 : i32
    %eq3A_188 = arith.cmpi eq, %min3A_177, %eq3A_187 : i32
    %eq3A_189 = arith.constant 128 : i32
    %eq3A_190 = arith.cmpi eq, %max3A_184, %eq3A_189 : i32
    %and3A_191 = arith.andi %eq3A_188, %eq3A_190 : i1
    %eq3A_192 = arith.cmpi eq, %max3A_184, %min3A_177 : i32
    %not3A_193 = arith.constant true
    %not3A_194 = arith.xori %and3A_191, %not3A_193 : i1
    %not3A_195 = arith.constant true
    %not3A_196 = arith.xori %eq3A_192, %not3A_195 : i1
    %and3A_197 = arith.andi %not3A_194, %not3A_196 : i1
    %add3A_198 = arith.constant 64 : i32
    %add3A_199 = arith.addi %add3A, %add3A_198 : i32
    %sub3A_200 = arith.constant 8 : i32
    %sub3A_201 = arith.subi %add3A_199, %sub3A_200 : i32
    %jit3A_202 = arith.constant 32 : i32
    %eq3A_203 = arith.constant 0 : i32
    %eq3A_204 = arith.cmpi eq, %jit3A_202, %eq3A_203 : i32
    %jit3A_205 = arith.constant 1 : i32
    %select_n3A_206 = arith.select %eq3A_204, %jit3A_205, %jit3A_202 : i32
    %rem3A_207 = arith.remsi %sub3A_201, %select_n3A_206 : i32
    %ne3A_208 = arith.constant 0 : i32
    %ne3A_209 = arith.cmpi ne, %rem3A_207, %ne3A_208 : i32
    %lt3A_210 = arith.constant 0 : i32
    %lt3A_211 = arith.cmpi slt, %rem3A_207, %lt3A_210 : i32
    %lt3A_212 = arith.constant 0 : i32
    %lt3A_213 = arith.cmpi slt, %select_n3A_206, %lt3A_212 : i32
    %ne3A_214 = arith.xori %lt3A_211, %lt3A_213 : i1
    %and3A_215 = arith.andi %ne3A_214, %ne3A_209 : i1
    %add3A_216 = arith.addi %rem3A_207, %select_n3A_206 : i32
    %select_n3A_217 = arith.select %and3A_215, %add3A_216, %rem3A_207 : i32
    %add3A_218 = arith.constant 64 : i32
    %add3A_219 = arith.addi %add3A_218, %select_n3A_217 : i32
    %mul3A_220 = arith.constant 128 : i32
    %mul3A_221 = arith.muli %add3A_219, %mul3A_220 : i32
    %jit3A_222 = arith.constant 16 : i32
    %div3A_223 = arith.divsi %add3A_219, %jit3A_222 : i32
    %sign3A_224 = arith.constant 0 : i32
    %sign3A_225 = arith.cmpi sgt, %add3A_219, %sign3A_224 : i32
    %sign3A_226 = arith.extui %sign3A_225 : i1 to i32
    %sign3A_227 = arith.constant 0 : i32
    %sign3A_228 = arith.cmpi slt, %add3A_219, %sign3A_227 : i32
    %sign3A_229 = arith.extui %sign3A_228 : i1 to i32
    %sign3A_230 = arith.subi %sign3A_226, %sign3A_229 : i32
    %sign3A_231 = arith.constant 0 : i32
    %sign3A_232 = arith.cmpi sgt, %jit3A_222, %sign3A_231 : i32
    %sign3A_233 = arith.extui %sign3A_232 : i1 to i32
    %sign3A_234 = arith.constant 0 : i32
    %sign3A_235 = arith.cmpi slt, %jit3A_222, %sign3A_234 : i32
    %sign3A_236 = arith.extui %sign3A_235 : i1 to i32
    %sign3A_237 = arith.subi %sign3A_233, %sign3A_236 : i32
    %ne3A_238 = arith.cmpi ne, %sign3A_230, %sign3A_237 : i32
    %rem3A_239 = arith.remsi %add3A_219, %jit3A_222 : i32
    %ne3A_240 = arith.constant 0 : i32
    %ne3A_241 = arith.cmpi ne, %rem3A_239, %ne3A_240 : i32
    %and3A_242 = arith.andi %ne3A_238, %ne3A_241 : i1
    %sub3A_243 = arith.constant 1 : i32
    %sub3A_244 = arith.subi %div3A_223, %sub3A_243 : i32
    %select_n3A_245 = arith.select %and3A_242, %sub3A_244, %div3A_223 : i32
    %jit3A_246 = arith.constant 16 : i32
    %eq3A_247 = arith.constant 0 : i32
    %eq3A_248 = arith.cmpi eq, %jit3A_246, %eq3A_247 : i32
    %jit3A_249 = arith.constant 1 : i32
    %select_n3A_250 = arith.select %eq3A_248, %jit3A_249, %jit3A_246 : i32
    %rem3A_251 = arith.remsi %add3A_219, %select_n3A_250 : i32
    %ne3A_252 = arith.constant 0 : i32
    %ne3A_253 = arith.cmpi ne, %rem3A_251, %ne3A_252 : i32
    %lt3A_254 = arith.constant 0 : i32
    %lt3A_255 = arith.cmpi slt, %rem3A_251, %lt3A_254 : i32
    %lt3A_256 = arith.constant 0 : i32
    %lt3A_257 = arith.cmpi slt, %select_n3A_250, %lt3A_256 : i32
    %ne3A_258 = arith.xori %lt3A_255, %lt3A_257 : i1
    %and3A_259 = arith.andi %ne3A_258, %ne3A_253 : i1
    %add3A_260 = arith.addi %rem3A_251, %select_n3A_250 : i32
    %select_n3A_261 = arith.select %and3A_259, %add3A_260, %rem3A_251 : i32
    %mul3A_262 = arith.constant 128 : i32
    %mul3A_263 = arith.muli %select_n3A_261, %mul3A_262 : i32
    %get3A_264 = arith.index_cast %select_n3A_245 : i32 to index
    %get3A_265 = tpu.vector_load %arg6[%get3A_264] {strides = array<i32>} : memref<32xi32, #tpu.memory_space<vmem>>, vector<16xi32>,
    %get3A_266 = vector.shape_cast %get3A_265 : vector<16xi32> to vector<16xi32>
    %slice3A_267 = vector.extract_strided_slice %get3A_266 {offsets = [0], sizes = [1], strides = [1]} : vector<16xi32> to vector<1xi32>
    %squeeze3A_268 = vector.extract %slice3A_267[0] : i32 from vector<1xi32>
    %add3A_269 = arith.constant 1 : i32
    %add3A_270 = arith.addi %select_n3A_245, %add3A_269 : i32
    %get3A_271 = arith.index_cast %add3A_270 : i32 to index
    %get3A_272 = tpu.vector_load %arg6[%get3A_271] {strides = array<i32>} : memref<32xi32, #tpu.memory_space<vmem>>, vector<16xi32>,
    %get3A_273 = vector.shape_cast %get3A_272 : vector<16xi32> to vector<16xi32>
    %slice3A_274 = vector.extract_strided_slice %get3A_273 {offsets = [0], sizes = [1], strides = [1]} : vector<16xi32> to vector<1xi32>
    %squeeze3A_275 = vector.extract %slice3A_274[0] : i32 from vector<1xi32>
    %sub3A_276 = arith.subi %squeeze3A_275, %squeeze3A_268 : i32
    %sub3A_277 = arith.subi %squeeze3A, %mul3A_263 : i32
    %jit3A_278 = arith.constant 0 : i32
    %jit3A_279 = arith.constant 128 : i32
    %max3A_280 = arith.maxsi %jit3A_278, %sub3A_277 : i32
    %min3A_281 = arith.minsi %jit3A_279, %max3A_280 : i32
    %add3A_282 = arith.addi %squeeze3A, %sub3A_276 : i32
    %sub3A_283 = arith.subi %add3A_282, %mul3A_263 : i32
    %jit3A_284 = arith.constant 0 : i32
    %jit3A_285 = arith.constant 128 : i32
    %max3A_286 = arith.maxsi %jit3A_284, %sub3A_283 : i32
    %min3A_287 = arith.minsi %jit3A_285, %max3A_286 : i32
    %max3A_288 = arith.maxsi %min3A_287, %min3A_281 : i32
    %add3A_289 = arith.addi %squeeze3A_268, %mul3A_263 : i32
    %sub3A_290 = arith.subi %add3A_289, %squeeze3A : i32
    %eq3A_291 = arith.constant 0 : i32
    %eq3A_292 = arith.cmpi eq, %min3A_281, %eq3A_291 : i32
    %eq3A_293 = arith.constant 128 : i32
    %eq3A_294 = arith.cmpi eq, %max3A_288, %eq3A_293 : i32
    %and3A_295 = arith.andi %eq3A_292, %eq3A_294 : i1
    %eq3A_296 = arith.cmpi eq, %max3A_288, %min3A_281 : i32
    %not3A_297 = arith.constant true
    %not3A_298 = arith.xori %and3A_295, %not3A_297 : i1
    %not3A_299 = arith.constant true
    %not3A_300 = arith.xori %eq3A_296, %not3A_299 : i1
    %and3A_301 = arith.andi %not3A_298, %not3A_300 : i1
    %add3A_302 = arith.constant 64 : i32
    %add3A_303 = arith.addi %add3A, %add3A_302 : i32
    %sub3A_304 = arith.constant 12 : i32
    %sub3A_305 = arith.subi %add3A_303, %sub3A_304 : i32
    %jit3A_306 = arith.constant 32 : i32
    %eq3A_307 = arith.constant 0 : i32
    %eq3A_308 = arith.cmpi eq, %jit3A_306, %eq3A_307 : i32
    %jit3A_309 = arith.constant 1 : i32
    %select_n3A_310 = arith.select %eq3A_308, %jit3A_309, %jit3A_306 : i32
    %rem3A_311 = arith.remsi %sub3A_305, %select_n3A_310 : i32
    %ne3A_312 = arith.constant 0 : i32
    %ne3A_313 = arith.cmpi ne, %rem3A_311, %ne3A_312 : i32
    %lt3A_314 = arith.constant 0 : i32
    %lt3A_315 = arith.cmpi slt, %rem3A_311, %lt3A_314 : i32
    %lt3A_316 = arith.constant 0 : i32
    %lt3A_317 = arith.cmpi slt, %select_n3A_310, %lt3A_316 : i32
    %ne3A_318 = arith.xori %lt3A_315, %lt3A_317 : i1
    %and3A_319 = arith.andi %ne3A_318, %ne3A_313 : i1
    %add3A_320 = arith.addi %rem3A_311, %select_n3A_310 : i32
    %select_n3A_321 = arith.select %and3A_319, %add3A_320, %rem3A_311 : i32
    %add3A_322 = arith.constant 96 : i32
    %add3A_323 = arith.addi %add3A_322, %select_n3A_321 : i32
    %mul3A_324 = arith.constant 128 : i32
    %mul3A_325 = arith.muli %add3A_323, %mul3A_324 : i32
    %jit3A_326 = arith.constant 16 : i32
    %div3A_327 = arith.divsi %add3A_323, %jit3A_326 : i32
    %sign3A_328 = arith.constant 0 : i32
    %sign3A_329 = arith.cmpi sgt, %add3A_323, %sign3A_328 : i32
    %sign3A_330 = arith.extui %sign3A_329 : i1 to i32
    %sign3A_331 = arith.constant 0 : i32
    %sign3A_332 = arith.cmpi slt, %add3A_323, %sign3A_331 : i32
    %sign3A_333 = arith.extui %sign3A_332 : i1 to i32
    %sign3A_334 = arith.subi %sign3A_330, %sign3A_333 : i32
    %sign3A_335 = arith.constant 0 : i32
    %sign3A_336 = arith.cmpi sgt, %jit3A_326, %sign3A_335 : i32
    %sign3A_337 = arith.extui %sign3A_336 : i1 to i32
    %sign3A_338 = arith.constant 0 : i32
    %sign3A_339 = arith.cmpi slt, %jit3A_326, %sign3A_338 : i32
    %sign3A_340 = arith.extui %sign3A_339 : i1 to i32
    %sign3A_341 = arith.subi %sign3A_337, %sign3A_340 : i32
    %ne3A_342 = arith.cmpi ne, %sign3A_334, %sign3A_341 : i32
    %rem3A_343 = arith.remsi %add3A_323, %jit3A_326 : i32
    %ne3A_344 = arith.constant 0 : i32
    %ne3A_345 = arith.cmpi ne, %rem3A_343, %ne3A_344 : i32
    %and3A_346 = arith.andi %ne3A_342, %ne3A_345 : i1
    %sub3A_347 = arith.constant 1 : i32
    %sub3A_348 = arith.subi %div3A_327, %sub3A_347 : i32
    %select_n3A_349 = arith.select %and3A_346, %sub3A_348, %div3A_327 : i32
    %jit3A_350 = arith.constant 16 : i32
    %eq3A_351 = arith.constant 0 : i32
    %eq3A_352 = arith.cmpi eq, %jit3A_350, %eq3A_351 : i32
    %jit3A_353 = arith.constant 1 : i32
    %select_n3A_354 = arith.select %eq3A_352, %jit3A_353, %jit3A_350 : i32
    %rem3A_355 = arith.remsi %add3A_323, %select_n3A_354 : i32
    %ne3A_356 = arith.constant 0 : i32
    %ne3A_357 = arith.cmpi ne, %rem3A_355, %ne3A_356 : i32
    %lt3A_358 = arith.constant 0 : i32
    %lt3A_359 = arith.cmpi slt, %rem3A_355, %lt3A_358 : i32
    %lt3A_360 = arith.constant 0 : i32
    %lt3A_361 = arith.cmpi slt, %select_n3A_354, %lt3A_360 : i32
    %ne3A_362 = arith.xori %lt3A_359, %lt3A_361 : i1
    %and3A_363 = arith.andi %ne3A_362, %ne3A_357 : i1
    %add3A_364 = arith.addi %rem3A_355, %select_n3A_354 : i32
    %select_n3A_365 = arith.select %and3A_363, %add3A_364, %rem3A_355 : i32
    %mul3A_366 = arith.constant 128 : i32
    %mul3A_367 = arith.muli %select_n3A_365, %mul3A_366 : i32
    %get3A_368 = arith.index_cast %select_n3A_349 : i32 to index
    %get3A_369 = tpu.vector_load %arg6[%get3A_368] {strides = array<i32>} : memref<32xi32, #tpu.memory_space<vmem>>, vector<16xi32>,
    %get3A_370 = vector.shape_cast %get3A_369 : vector<16xi32> to vector<16xi32>
    %slice3A_371 = vector.extract_strided_slice %get3A_370 {offsets = [0], sizes = [1], strides = [1]} : vector<16xi32> to vector<1xi32>
    %squeeze3A_372 = vector.extract %slice3A_371[0] : i32 from vector<1xi32>
    %add3A_373 = arith.constant 1 : i32
    %add3A_374 = arith.addi %select_n3A_349, %add3A_373 : i32
    %get3A_375 = arith.index_cast %add3A_374 : i32 to index
    %get3A_376 = tpu.vector_load %arg6[%get3A_375] {strides = array<i32>} : memref<32xi32, #tpu.memory_space<vmem>>, vector<16xi32>,
    %get3A_377 = vector.shape_cast %get3A_376 : vector<16xi32> to vector<16xi32>
    %slice3A_378 = vector.extract_strided_slice %get3A_377 {offsets = [0], sizes = [1], strides = [1]} : vector<16xi32> to vector<1xi32>
    %squeeze3A_379 = vector.extract %slice3A_378[0] : i32 from vector<1xi32>
    %sub3A_380 = arith.subi %squeeze3A_379, %squeeze3A_372 : i32
    %sub3A_381 = arith.subi %squeeze3A, %mul3A_367 : i32
    %jit3A_382 = arith.constant 0 : i32
    %jit3A_383 = arith.constant 128 : i32
    %max3A_384 = arith.maxsi %jit3A_382, %sub3A_381 : i32
    %min3A_385 = arith.minsi %jit3A_383, %max3A_384 : i32
    %add3A_386 = arith.addi %squeeze3A, %sub3A_380 : i32
    %sub3A_387 = arith.subi %add3A_386, %mul3A_367 : i32
    %jit3A_388 = arith.constant 0 : i32
    %jit3A_389 = arith.constant 128 : i32
    %max3A_390 = arith.maxsi %jit3A_388, %sub3A_387 : i32
    %min3A_391 = arith.minsi %jit3A_389, %max3A_390 : i32
    %max3A_392 = arith.maxsi %min3A_391, %min3A_385 : i32
    %add3A_393 = arith.addi %squeeze3A_372, %mul3A_367 : i32
    %sub3A_394 = arith.subi %add3A_393, %squeeze3A : i32
    %eq3A_395 = arith.constant 0 : i32
    %eq3A_396 = arith.cmpi eq, %min3A_385, %eq3A_395 : i32
    %eq3A_397 = arith.constant 128 : i32
    %eq3A_398 = arith.cmpi eq, %max3A_392, %eq3A_397 : i32
    %and3A_399 = arith.andi %eq3A_396, %eq3A_398 : i1
    %eq3A_400 = arith.cmpi eq, %max3A_392, %min3A_385 : i32
    %not3A_401 = arith.constant true
    %not3A_402 = arith.xori %and3A_399, %not3A_401 : i1
    %not3A_403 = arith.constant true
    %not3A_404 = arith.xori %eq3A_400, %not3A_403 : i1
    %and3A_405 = arith.andi %not3A_402, %not3A_404 : i1
    %convert_element_type3A = arith.extui %and3A_88 : i1 to i32
    %cond3A = arith.constant 0 : i32
    %cond3A_406 = arith.cmpi ne, %convert_element_type3A, %cond3A : i32
    scf.if %cond3A_406 {
      %multiple_of3A = tpu.assume_multiple %sub3A_83, 8 : i32
      %dma_start3A = arith.constant 0 : i32
      %dma_start3A_483 = tpu.memref_slice %arg2[%multiple_of3A, %dma_start3A] : memref<8192x256xf32, #tpu.memory_space<hbm>> -> memref<128x256xf32, #tpu.memory_space<hbm>>
      %dma_start3A_484 = arith.constant 0 : i32
      %dma_start3A_485 = tpu.memref_slice %arg2[%multiple_of3A, %dma_start3A_484] : memref<8192x256xf32, #tpu.memory_space<hbm>> -> memref<128x256xf32, #tpu.memory_space<hbm>>
      tpu.enqueue_dma source(%dma_start3A_485 : memref<128x256xf32, #tpu.memory_space<hbm>>) target(%arg7 : memref<128x256xf32, #tpu.memory_space<vmem>>) target_semaphore(%arg13 : memref<!tpu.dma_semaphore, #tpu.memory_space<semaphore_mem>>)
    } else {
    }
    %convert_element_type3A_407 = arith.extui %and3A_191 : i1 to i32
    %cond3A_408 = arith.constant 0 : i32
    %cond3A_409 = arith.cmpi ne, %convert_element_type3A_407, %cond3A_408 : i32
    scf.if %cond3A_409 {
      %multiple_of3A = tpu.assume_multiple %sub3A_186, 8 : i32
      %dma_start3A = arith.constant 0 : i32
      %dma_start3A_483 = tpu.memref_slice %arg2[%multiple_of3A, %dma_start3A] : memref<8192x256xf32, #tpu.memory_space<hbm>> -> memref<128x256xf32, #tpu.memory_space<hbm>>
      %dma_start3A_484 = arith.constant 0 : i32
      %dma_start3A_485 = tpu.memref_slice %arg2[%multiple_of3A, %dma_start3A_484] : memref<8192x256xf32, #tpu.memory_space<hbm>> -> memref<128x256xf32, #tpu.memory_space<hbm>>
      tpu.enqueue_dma source(%dma_start3A_485 : memref<128x256xf32, #tpu.memory_space<hbm>>) target(%arg8 : memref<128x256xf32, #tpu.memory_space<vmem>>) target_semaphore(%arg14 : memref<!tpu.dma_semaphore, #tpu.memory_space<semaphore_mem>>)
    } else {
    }
    %convert_element_type3A_410 = arith.extui %and3A_295 : i1 to i32
    %cond3A_411 = arith.constant 0 : i32
    %cond3A_412 = arith.cmpi ne, %convert_element_type3A_410, %cond3A_411 : i32
    scf.if %cond3A_412 {
      %multiple_of3A = tpu.assume_multiple %sub3A_290, 8 : i32
      %dma_start3A = arith.constant 0 : i32
      %dma_start3A_483 = tpu.memref_slice %arg2[%multiple_of3A, %dma_start3A] : memref<8192x256xf32, #tpu.memory_space<hbm>> -> memref<128x256xf32, #tpu.memory_space<hbm>>
      %dma_start3A_484 = arith.constant 0 : i32
      %dma_start3A_485 = tpu.memref_slice %arg2[%multiple_of3A, %dma_start3A_484] : memref<8192x256xf32, #tpu.memory_space<hbm>> -> memref<128x256xf32, #tpu.memory_space<hbm>>
      tpu.enqueue_dma source(%dma_start3A_485 : memref<128x256xf32, #tpu.memory_space<hbm>>) target(%arg9 : memref<128x256xf32, #tpu.memory_space<vmem>>) target_semaphore(%arg15 : memref<!tpu.dma_semaphore, #tpu.memory_space<semaphore_mem>>)
    } else {
    }
    tpu.wait_dma2 semaphore(%arg12 : memref<!tpu.dma_semaphore, #tpu.memory_space<semaphore_mem>>) src(%arg4 : memref<32x256xf32, #tpu.memory_space<hbm>>) dst(%arg10 : memref<32x256xf32, #tpu.memory_space<vmem>>)
    %convert_element_type3A_413 = arith.extui %and3A_88 : i1 to i32
    %cond3A_414 = arith.constant 0 : i32
    %cond3A_415 = arith.cmpi ne, %convert_element_type3A_413, %cond3A_414 : i32
    scf.if %cond3A_415 {
      %multiple_of3A = tpu.assume_multiple %sub3A_83, 8 : i32
      %dma_wait3A = arith.constant 0 : i32
      %dma_wait3A_483 = tpu.memref_slice %arg2[%multiple_of3A, %dma_wait3A] : memref<8192x256xf32, #tpu.memory_space<hbm>> -> memref<128x256xf32, #tpu.memory_space<hbm>>
      %dma_wait3A_484 = arith.constant 0 : i32
      %dma_wait3A_485 = tpu.memref_slice %arg2[%multiple_of3A, %dma_wait3A_484] : memref<8192x256xf32, #tpu.memory_space<hbm>> -> memref<128x256xf32, #tpu.memory_space<hbm>>
      tpu.wait_dma2 semaphore(%arg13 : memref<!tpu.dma_semaphore, #tpu.memory_space<semaphore_mem>>) src(%dma_wait3A_485 : memref<128x256xf32, #tpu.memory_space<hbm>>) dst(%arg7 : memref<128x256xf32, #tpu.memory_space<vmem>>)
      %dma_start3A = arith.constant 0 : i32
      %dma_start3A_486 = tpu.memref_slice %arg5[%mul3A_18, %dma_start3A] : memref<16384x256xf32, #tpu.memory_space<hbm>> -> memref<128x256xf32, #tpu.memory_space<hbm>>
      %dma_start3A_487 = arith.constant 0 : i32
      %dma_start3A_488 = tpu.memref_slice %arg5[%mul3A_18, %dma_start3A_487] : memref<16384x256xf32, #tpu.memory_space<hbm>> -> memref<128x256xf32, #tpu.memory_space<hbm>>
      tpu.enqueue_dma source(%arg7 : memref<128x256xf32, #tpu.memory_space<vmem>>) target(%dma_start3A_488 : memref<128x256xf32, #tpu.memory_space<hbm>>) target_semaphore(%arg16 : memref<!tpu.dma_semaphore, #tpu.memory_space<semaphore_mem>>)
    } else {
    }
    %convert_element_type3A_416 = arith.extui %eq3A_89 : i1 to i32
    %cond3A_417 = arith.constant 0 : i32
    %cond3A_418 = arith.cmpi ne, %convert_element_type3A_416, %cond3A_417 : i32
    scf.if %cond3A_418 {
      %add3A_483 = arith.constant 0 : i32
      %add3A_484 = arith.addi %mul3A_18, %add3A_483 : i32
      %add3A_485 = arith.constant 32 : i32
      %add3A_486 = arith.addi %mul3A_18, %add3A_485 : i32
      %add3A_487 = arith.constant 64 : i32
      %add3A_488 = arith.addi %mul3A_18, %add3A_487 : i32
      %add3A_489 = arith.constant 96 : i32
      %add3A_490 = arith.addi %mul3A_18, %add3A_489 : i32
      %dma_start3A = arith.constant 0 : i32
      %dma_start3A_491 = tpu.memref_slice %arg5[%add3A_484, %dma_start3A] : memref<16384x256xf32, #tpu.memory_space<hbm>> -> memref<32x256xf32, #tpu.memory_space<hbm>>
      %dma_start3A_492 = arith.constant 0 : i32
      %dma_start3A_493 = tpu.memref_slice %arg5[%add3A_484, %dma_start3A_492] : memref<16384x256xf32, #tpu.memory_space<hbm>> -> memref<32x256xf32, #tpu.memory_space<hbm>>
      tpu.enqueue_dma source(%arg10 : memref<32x256xf32, #tpu.memory_space<vmem>>) target(%dma_start3A_493 : memref<32x256xf32, #tpu.memory_space<hbm>>) target_semaphore(%arg19 : memref<!tpu.dma_semaphore, #tpu.memory_space<semaphore_mem>>)
      %dma_start3A_494 = arith.constant 0 : i32
      %dma_start3A_495 = tpu.memref_slice %arg5[%add3A_486, %dma_start3A_494] : memref<16384x256xf32, #tpu.memory_space<hbm>> -> memref<32x256xf32, #tpu.memory_space<hbm>>
      %dma_start3A_496 = arith.constant 0 : i32
      %dma_start3A_497 = tpu.memref_slice %arg5[%add3A_486, %dma_start3A_496] : memref<16384x256xf32, #tpu.memory_space<hbm>> -> memref<32x256xf32, #tpu.memory_space<hbm>>
      tpu.enqueue_dma source(%arg10 : memref<32x256xf32, #tpu.memory_space<vmem>>) target(%dma_start3A_497 : memref<32x256xf32, #tpu.memory_space<hbm>>) target_semaphore(%arg19 : memref<!tpu.dma_semaphore, #tpu.memory_space<semaphore_mem>>)
      %dma_start3A_498 = arith.constant 0 : i32
      %dma_start3A_499 = tpu.memref_slice %arg5[%add3A_488, %dma_start3A_498] : memref<16384x256xf32, #tpu.memory_space<hbm>> -> memref<32x256xf32, #tpu.memory_space<hbm>>
      %dma_start3A_500 = arith.constant 0 : i32
      %dma_start3A_501 = tpu.memref_slice %arg5[%add3A_488, %dma_start3A_500] : memref<16384x256xf32, #tpu.memory_space<hbm>> -> memref<32x256xf32, #tpu.memory_space<hbm>>
      tpu.enqueue_dma source(%arg10 : memref<32x256xf32, #tpu.memory_space<vmem>>) target(%dma_start3A_501 : memref<32x256xf32, #tpu.memory_space<hbm>>) target_semaphore(%arg19 : memref<!tpu.dma_semaphore, #tpu.memory_space<semaphore_mem>>)
      %dma_start3A_502 = arith.constant 0 : i32
      %dma_start3A_503 = tpu.memref_slice %arg5[%add3A_490, %dma_start3A_502] : memref<16384x256xf32, #tpu.memory_space<hbm>> -> memref<32x256xf32, #tpu.memory_space<hbm>>
      %dma_start3A_504 = arith.constant 0 : i32
      %dma_start3A_505 = tpu.memref_slice %arg5[%add3A_490, %dma_start3A_504] : memref<16384x256xf32, #tpu.memory_space<hbm>> -> memref<32x256xf32, #tpu.memory_space<hbm>>
      tpu.enqueue_dma source(%arg10 : memref<32x256xf32, #tpu.memory_space<vmem>>) target(%dma_start3A_505 : memref<32x256xf32, #tpu.memory_space<hbm>>) target_semaphore(%arg19 : memref<!tpu.dma_semaphore, #tpu.memory_space<semaphore_mem>>)
    } else {
    }
    %convert_element_type3A_419 = arith.extui %and3A_93 : i1 to i32
    %cond3A_420 = arith.constant 0 : i32
    %cond3A_421 = arith.cmpi ne, %convert_element_type3A_419, %cond3A_420 : i32
    scf.if %cond3A_421 {
      %add3A_483 = arith.constant 0 : i32
      %add3A_484 = arith.addi %mul3A_18, %add3A_483 : i32
      %add3A_485 = arith.constant 32 : i32
      %add3A_486 = arith.addi %mul3A_18, %add3A_485 : i32
      %add3A_487 = arith.constant 64 : i32
      %add3A_488 = arith.addi %mul3A_18, %add3A_487 : i32
      %add3A_489 = arith.constant 96 : i32
      %add3A_490 = arith.addi %mul3A_18, %add3A_489 : i32
      %dma_start3A = arith.constant 0 : i32
      %dma_start3A_491 = tpu.memref_slice %arg5[%add3A_484, %dma_start3A] : memref<16384x256xf32, #tpu.memory_space<hbm>> -> memref<32x256xf32, #tpu.memory_space<hbm>>
      %dma_start3A_492 = arith.constant 0 : i32
      %dma_start3A_493 = tpu.memref_slice %arg5[%add3A_484, %dma_start3A_492] : memref<16384x256xf32, #tpu.memory_space<hbm>> -> memref<32x256xf32, #tpu.memory_space<hbm>>
      tpu.enqueue_dma source(%arg10 : memref<32x256xf32, #tpu.memory_space<vmem>>) target(%dma_start3A_493 : memref<32x256xf32, #tpu.memory_space<hbm>>) target_semaphore(%arg19 : memref<!tpu.dma_semaphore, #tpu.memory_space<semaphore_mem>>)
      %dma_start3A_494 = arith.constant 0 : i32
      %dma_start3A_495 = tpu.memref_slice %arg5[%add3A_486, %dma_start3A_494] : memref<16384x256xf32, #tpu.memory_space<hbm>> -> memref<32x256xf32, #tpu.memory_space<hbm>>
      %dma_start3A_496 = arith.constant 0 : i32
      %dma_start3A_497 = tpu.memref_slice %arg5[%add3A_486, %dma_start3A_496] : memref<16384x256xf32, #tpu.memory_space<hbm>> -> memref<32x256xf32, #tpu.memory_space<hbm>>
      tpu.enqueue_dma source(%arg10 : memref<32x256xf32, #tpu.memory_space<vmem>>) target(%dma_start3A_497 : memref<32x256xf32, #tpu.memory_space<hbm>>) target_semaphore(%arg19 : memref<!tpu.dma_semaphore, #tpu.memory_space<semaphore_mem>>)
      %dma_start3A_498 = arith.constant 0 : i32
      %dma_start3A_499 = tpu.memref_slice %arg5[%add3A_488, %dma_start3A_498] : memref<16384x256xf32, #tpu.memory_space<hbm>> -> memref<32x256xf32, #tpu.memory_space<hbm>>
      %dma_start3A_500 = arith.constant 0 : i32
      %dma_start3A_501 = tpu.memref_slice %arg5[%add3A_488, %dma_start3A_500] : memref<16384x256xf32, #tpu.memory_space<hbm>> -> memref<32x256xf32, #tpu.memory_space<hbm>>
      tpu.enqueue_dma source(%arg10 : memref<32x256xf32, #tpu.memory_space<vmem>>) target(%dma_start3A_501 : memref<32x256xf32, #tpu.memory_space<hbm>>) target_semaphore(%arg19 : memref<!tpu.dma_semaphore, #tpu.memory_space<semaphore_mem>>)
      %dma_start3A_502 = arith.constant 0 : i32
      %dma_start3A_503 = tpu.memref_slice %arg5[%add3A_490, %dma_start3A_502] : memref<16384x256xf32, #tpu.memory_space<hbm>> -> memref<32x256xf32, #tpu.memory_space<hbm>>
      %dma_start3A_504 = arith.constant 0 : i32
      %dma_start3A_505 = tpu.memref_slice %arg5[%add3A_490, %dma_start3A_504] : memref<16384x256xf32, #tpu.memory_space<hbm>> -> memref<32x256xf32, #tpu.memory_space<hbm>>
      tpu.enqueue_dma source(%arg10 : memref<32x256xf32, #tpu.memory_space<vmem>>) target(%dma_start3A_505 : memref<32x256xf32, #tpu.memory_space<hbm>>) target_semaphore(%arg19 : memref<!tpu.dma_semaphore, #tpu.memory_space<semaphore_mem>>)
      %add3A_506 = arith.constant 0 : i32
      %add3A_507 = arith.addi %mul3A_18, %add3A_506 : i32
      %add3A_508 = arith.constant 32 : i32
      %add3A_509 = arith.addi %mul3A_18, %add3A_508 : i32
      %add3A_510 = arith.constant 64 : i32
      %add3A_511 = arith.addi %mul3A_18, %add3A_510 : i32
      %add3A_512 = arith.constant 96 : i32
      %add3A_513 = arith.addi %mul3A_18, %add3A_512 : i32
      %dma_wait3A = arith.constant 0 : i32
      %dma_wait3A_514 = tpu.memref_slice %arg5[%add3A_507, %dma_wait3A] : memref<16384x256xf32, #tpu.memory_space<hbm>> -> memref<32x256xf32, #tpu.memory_space<hbm>>
      %dma_wait3A_515 = arith.constant 0 : i32
      %dma_wait3A_516 = tpu.memref_slice %arg5[%add3A_507, %dma_wait3A_515] : memref<16384x256xf32, #tpu.memory_space<hbm>> -> memref<32x256xf32, #tpu.memory_space<hbm>>
      tpu.wait_dma2 semaphore(%arg19 : memref<!tpu.dma_semaphore, #tpu.memory_space<semaphore_mem>>) src(%arg10 : memref<32x256xf32, #tpu.memory_space<vmem>>) dst(%dma_wait3A_516 : memref<32x256xf32, #tpu.memory_space<hbm>>)
      %dma_wait3A_517 = arith.constant 0 : i32
      %dma_wait3A_518 = tpu.memref_slice %arg5[%add3A_509, %dma_wait3A_517] : memref<16384x256xf32, #tpu.memory_space<hbm>> -> memref<32x256xf32, #tpu.memory_space<hbm>>
      %dma_wait3A_519 = arith.constant 0 : i32
      %dma_wait3A_520 = tpu.memref_slice %arg5[%add3A_509, %dma_wait3A_519] : memref<16384x256xf32, #tpu.memory_space<hbm>> -> memref<32x256xf32, #tpu.memory_space<hbm>>
      tpu.wait_dma2 semaphore(%arg19 : memref<!tpu.dma_semaphore, #tpu.memory_space<semaphore_mem>>) src(%arg10 : memref<32x256xf32, #tpu.memory_space<vmem>>) dst(%dma_wait3A_520 : memref<32x256xf32, #tpu.memory_space<hbm>>)
      %dma_wait3A_521 = arith.constant 0 : i32
      %dma_wait3A_522 = tpu.memref_slice %arg5[%add3A_511, %dma_wait3A_521] : memref<16384x256xf32, #tpu.memory_space<hbm>> -> memref<32x256xf32, #tpu.memory_space<hbm>>
      %dma_wait3A_523 = arith.constant 0 : i32
      %dma_wait3A_524 = tpu.memref_slice %arg5[%add3A_511, %dma_wait3A_523] : memref<16384x256xf32, #tpu.memory_space<hbm>> -> memref<32x256xf32, #tpu.memory_space<hbm>>
      tpu.wait_dma2 semaphore(%arg19 : memref<!tpu.dma_semaphore, #tpu.memory_space<semaphore_mem>>) src(%arg10 : memref<32x256xf32, #tpu.memory_space<vmem>>) dst(%dma_wait3A_524 : memref<32x256xf32, #tpu.memory_space<hbm>>)
      %dma_wait3A_525 = arith.constant 0 : i32
      %dma_wait3A_526 = tpu.memref_slice %arg5[%add3A_513, %dma_wait3A_525] : memref<16384x256xf32, #tpu.memory_space<hbm>> -> memref<32x256xf32, #tpu.memory_space<hbm>>
      %dma_wait3A_527 = arith.constant 0 : i32
      %dma_wait3A_528 = tpu.memref_slice %arg5[%add3A_513, %dma_wait3A_527] : memref<16384x256xf32, #tpu.memory_space<hbm>> -> memref<32x256xf32, #tpu.memory_space<hbm>>
      tpu.wait_dma2 semaphore(%arg19 : memref<!tpu.dma_semaphore, #tpu.memory_space<semaphore_mem>>) src(%arg10 : memref<32x256xf32, #tpu.memory_space<vmem>>) dst(%dma_wait3A_528 : memref<32x256xf32, #tpu.memory_space<hbm>>)
      %add3A_529 = arith.constant 7 : i32
      %add3A_530 = arith.addi %min3A, %add3A_529 : i32
      %jit3A_531 = arith.constant 8 : i32
      %div3A_532 = arith.divsi %add3A_530, %jit3A_531 : i32
      %sign3A_533 = arith.constant 0 : i32
      %sign3A_534 = arith.cmpi sgt, %add3A_530, %sign3A_533 : i32
      %sign3A_535 = arith.extui %sign3A_534 : i1 to i32
      %sign3A_536 = arith.constant 0 : i32
      %sign3A_537 = arith.cmpi slt, %add3A_530, %sign3A_536 : i32
      %sign3A_538 = arith.extui %sign3A_537 : i1 to i32
      %sign3A_539 = arith.subi %sign3A_535, %sign3A_538 : i32
      %sign3A_540 = arith.constant 0 : i32
      %sign3A_541 = arith.cmpi sgt, %jit3A_531, %sign3A_540 : i32
      %sign3A_542 = arith.extui %sign3A_541 : i1 to i32
      %sign3A_543 = arith.constant 0 : i32
      %sign3A_544 = arith.cmpi slt, %jit3A_531, %sign3A_543 : i32
      %sign3A_545 = arith.extui %sign3A_544 : i1 to i32
      %sign3A_546 = arith.subi %sign3A_542, %sign3A_545 : i32
      %ne3A_547 = arith.cmpi ne, %sign3A_539, %sign3A_546 : i32
      %rem3A_548 = arith.remsi %add3A_530, %jit3A_531 : i32
      %ne3A_549 = arith.constant 0 : i32
      %ne3A_550 = arith.cmpi ne, %rem3A_548, %ne3A_549 : i32
      %and3A_551 = arith.andi %ne3A_547, %ne3A_550 : i1
      %sub3A_552 = arith.constant 1 : i32
      %sub3A_553 = arith.subi %div3A_532, %sub3A_552 : i32
      %select_n3A_554 = arith.select %and3A_551, %sub3A_553, %div3A_532 : i32
      %mul3A_555 = arith.constant 8 : i32
      %mul3A_556 = arith.muli %select_n3A_554, %mul3A_555 : i32
      %jit3A_557 = arith.constant 8 : i32
      %div3A_558 = arith.divsi %max3A_81, %jit3A_557 : i32
      %sign3A_559 = arith.constant 0 : i32
      %sign3A_560 = arith.cmpi sgt, %max3A_81, %sign3A_559 : i32
      %sign3A_561 = arith.extui %sign3A_560 : i1 to i32
      %sign3A_562 = arith.constant 0 : i32
      %sign3A_563 = arith.cmpi slt, %max3A_81, %sign3A_562 : i32
      %sign3A_564 = arith.extui %sign3A_563 : i1 to i32
      %sign3A_565 = arith.subi %sign3A_561, %sign3A_564 : i32
      %sign3A_566 = arith.constant 0 : i32
      %sign3A_567 = arith.cmpi sgt, %jit3A_557, %sign3A_566 : i32
      %sign3A_568 = arith.extui %sign3A_567 : i1 to i32
      %sign3A_569 = arith.constant 0 : i32
      %sign3A_570 = arith.cmpi slt, %jit3A_557, %sign3A_569 : i32
      %sign3A_571 = arith.extui %sign3A_570 : i1 to i32
      %sign3A_572 = arith.subi %sign3A_568, %sign3A_571 : i32
      %ne3A_573 = arith.cmpi ne, %sign3A_565, %sign3A_572 : i32
      %rem3A_574 = arith.remsi %max3A_81, %jit3A_557 : i32
      %ne3A_575 = arith.constant 0 : i32
      %ne3A_576 = arith.cmpi ne, %rem3A_574, %ne3A_575 : i32
      %and3A_577 = arith.andi %ne3A_573, %ne3A_576 : i1
      %sub3A_578 = arith.constant 1 : i32
      %sub3A_579 = arith.subi %div3A_558, %sub3A_578 : i32
      %select_n3A_580 = arith.select %and3A_577, %sub3A_579, %div3A_558 : i32
      %mul3A_581 = arith.constant 8 : i32
      %mul3A_582 = arith.muli %select_n3A_580, %mul3A_581 : i32
      %scan3A = arith.constant 0 : i32
      %scan3A_583 = arith.constant 0 : i32
      %scan3A_584 = arith.constant 16 : i32
      %scan3A_585 = arith.addi %scan3A_583, %scan3A_584 : i32
      %scan3A_586 = arith.constant 1 : i32
      scf.for %scan3A_588 = %scan3A_583 to %scan3A_585 step %scan3A_586  : i32 {
        %mul3A_589 = arith.constant 8 : i32
        %mul3A_590 = arith.muli %scan3A_588, %mul3A_589 : i32
        %ge3A = arith.cmpi sge, %mul3A_590, %mul3A_556 : i32
        %lt3A_591 = arith.cmpi slt, %mul3A_590, %mul3A_582 : i32
        %and3A_592 = arith.andi %ge3A, %lt3A_591 : i1
        %convert_element_type3A_593 = arith.extui %and3A_592 : i1 to i32
        %cond3A_594 = arith.constant 0 : i32
        %cond3A_595 = arith.cmpi ne, %convert_element_type3A_593, %cond3A_594 : i32
        scf.if %cond3A_595 {
          %add3A_596 = arith.addi %sub3A_83, %mul3A_590 : i32
          %multiple_of3A = tpu.assume_multiple %add3A_596, 8 : i32
          "tpu.region"() ({
            %run_scoped3A = tpu.sem_alloc : memref<!tpu.dma_semaphore, #tpu.memory_space<semaphore_mem>>
            %dma_start3A_598 = arith.constant 0 : i32
            %dma_start3A_599 = tpu.memref_slice %arg2[%multiple_of3A, %dma_start3A_598] : memref<8192x256xf32, #tpu.memory_space<hbm>> -> memref<8x256xf32, #tpu.memory_space<hbm>>
            %dma_start3A_600 = arith.constant 0 : i32
            %dma_start3A_601 = tpu.memref_slice %arg2[%multiple_of3A, %dma_start3A_600] : memref<8192x256xf32, #tpu.memory_space<hbm>> -> memref<8x256xf32, #tpu.memory_space<hbm>>
            tpu.enqueue_dma source(%dma_start3A_601 : memref<8x256xf32, #tpu.memory_space<hbm>>) target(%arg11 : memref<8x256xf32, #tpu.memory_space<vmem>>) target_semaphore(%run_scoped3A : memref<!tpu.dma_semaphore, #tpu.memory_space<semaphore_mem>>)
            %dma_wait3A_602 = arith.constant 0 : i32
            %dma_wait3A_603 = tpu.memref_slice %arg2[%multiple_of3A, %dma_wait3A_602] : memref<8192x256xf32, #tpu.memory_space<hbm>> -> memref<8x256xf32, #tpu.memory_space<hbm>>
            %dma_wait3A_604 = arith.constant 0 : i32
            %dma_wait3A_605 = tpu.memref_slice %arg2[%multiple_of3A, %dma_wait3A_604] : memref<8192x256xf32, #tpu.memory_space<hbm>> -> memref<8x256xf32, #tpu.memory_space<hbm>>
            tpu.wait_dma2 semaphore(%run_scoped3A : memref<!tpu.dma_semaphore, #tpu.memory_space<semaphore_mem>>) src(%dma_wait3A_605 : memref<8x256xf32, #tpu.memory_space<hbm>>) dst(%arg11 : memref<8x256xf32, #tpu.memory_space<vmem>>)
            tpu.yield
          }) : () -> ()
          %add3A_597 = arith.addi %mul3A_18, %mul3A_590 : i32
          "tpu.region"() ({
            %run_scoped3A = tpu.sem_alloc : memref<!tpu.dma_semaphore, #tpu.memory_space<semaphore_mem>>
            %dma_start3A_598 = arith.constant 0 : i32
            %dma_start3A_599 = tpu.memref_slice %arg5[%add3A_597, %dma_start3A_598] : memref<16384x256xf32, #tpu.memory_space<hbm>> -> memref<8x256xf32, #tpu.memory_space<hbm>>
            %dma_start3A_600 = arith.constant 0 : i32
            %dma_start3A_601 = tpu.memref_slice %arg5[%add3A_597, %dma_start3A_600] : memref<16384x256xf32, #tpu.memory_space<hbm>> -> memref<8x256xf32, #tpu.memory_space<hbm>>
            tpu.enqueue_dma source(%arg11 : memref<8x256xf32, #tpu.memory_space<vmem>>) target(%dma_start3A_601 : memref<8x256xf32, #tpu.memory_space<hbm>>) target_semaphore(%run_scoped3A : memref<!tpu.dma_semaphore, #tpu.memory_space<semaphore_mem>>)
            %dma_wait3A_602 = arith.constant 0 : i32
            %dma_wait3A_603 = tpu.memref_slice %arg5[%add3A_597, %dma_wait3A_602] : memref<16384x256xf32, #tpu.memory_space<hbm>> -> memref<8x256xf32, #tpu.memory_space<hbm>>
            %dma_wait3A_604 = arith.constant 0 : i32
            %dma_wait3A_605 = tpu.memref_slice %arg5[%add3A_597, %dma_wait3A_604] : memref<16384x256xf32, #tpu.memory_space<hbm>> -> memref<8x256xf32, #tpu.memory_space<hbm>>
            tpu.wait_dma2 semaphore(%run_scoped3A : memref<!tpu.dma_semaphore, #tpu.memory_space<semaphore_mem>>) src(%arg11 : memref<8x256xf32, #tpu.memory_space<vmem>>) dst(%dma_wait3A_605 : memref<8x256xf32, #tpu.memory_space<hbm>>)
            tpu.yield
          }) : () -> ()
        } else {
        }
      }
      %scan3A_587 = arith.constant 16 : i32
    } else {
    }
    %and3A_422 = arith.andi %and3A_399, %and3A_88 : i1
    %convert_element_type3A_423 = arith.extui %and3A_422 : i1 to i32
    %cond3A_424 = arith.constant 0 : i32
    %cond3A_425 = arith.cmpi ne, %convert_element_type3A_423, %cond3A_424 : i32
    scf.if %cond3A_425 {
      %dma_wait3A = arith.constant 0 : i32
      %dma_wait3A_483 = tpu.memref_slice %arg5[%mul3A_18, %dma_wait3A] : memref<16384x256xf32, #tpu.memory_space<hbm>> -> memref<128x256xf32, #tpu.memory_space<hbm>>
      %dma_wait3A_484 = arith.constant 0 : i32
      %dma_wait3A_485 = tpu.memref_slice %arg5[%mul3A_18, %dma_wait3A_484] : memref<16384x256xf32, #tpu.memory_space<hbm>> -> memref<128x256xf32, #tpu.memory_space<hbm>>
      tpu.wait_dma2 semaphore(%arg16 : memref<!tpu.dma_semaphore, #tpu.memory_space<semaphore_mem>>) src(%arg7 : memref<128x256xf32, #tpu.memory_space<vmem>>) dst(%dma_wait3A_485 : memref<128x256xf32, #tpu.memory_space<hbm>>)
    } else {
    }
    %convert_element_type3A_426 = arith.extui %and3A_399 : i1 to i32
    %cond3A_427 = arith.constant 0 : i32
    %cond3A_428 = arith.cmpi ne, %convert_element_type3A_426, %cond3A_427 : i32
    scf.if %cond3A_428 {
      %multiple_of3A = tpu.assume_multiple %sub3A_394, 8 : i32
      %dma_start3A = arith.constant 0 : i32
      %dma_start3A_483 = tpu.memref_slice %arg2[%multiple_of3A, %dma_start3A] : memref<8192x256xf32, #tpu.memory_space<hbm>> -> memref<128x256xf32, #tpu.memory_space<hbm>>
      %dma_start3A_484 = arith.constant 0 : i32
      %dma_start3A_485 = tpu.memref_slice %arg2[%multiple_of3A, %dma_start3A_484] : memref<8192x256xf32, #tpu.memory_space<hbm>> -> memref<128x256xf32, #tpu.memory_space<hbm>>
      tpu.enqueue_dma source(%dma_start3A_485 : memref<128x256xf32, #tpu.memory_space<hbm>>) target(%arg7 : memref<128x256xf32, #tpu.memory_space<vmem>>) target_semaphore(%arg13 : memref<!tpu.dma_semaphore, #tpu.memory_space<semaphore_mem>>)
    } else {
    }
    %convert_element_type3A_429 = arith.extui %and3A_191 : i1 to i32
    %cond3A_430 = arith.constant 0 : i32
    %cond3A_431 = arith.cmpi ne, %convert_element_type3A_429, %cond3A_430 : i32
    scf.if %cond3A_431 {
      %multiple_of3A = tpu.assume_multiple %sub3A_186, 8 : i32
      %dma_wait3A = arith.constant 0 : i32
      %dma_wait3A_483 = tpu.memref_slice %arg2[%multiple_of3A, %dma_wait3A] : memref<8192x256xf32, #tpu.memory_space<hbm>> -> memref<128x256xf32, #tpu.memory_space<hbm>>
      %dma_wait3A_484 = arith.constant 0 : i32
      %dma_wait3A_485 = tpu.memref_slice %arg2[%multiple_of3A, %dma_wait3A_484] : memref<8192x256xf32, #tpu.memory_space<hbm>> -> memref<128x256xf32, #tpu.memory_space<hbm>>
      tpu.wait_dma2 semaphore(%arg14 : memref<!tpu.dma_semaphore, #tpu.memory_space<semaphore_mem>>) src(%dma_wait3A_485 : memref<128x256xf32, #tpu.memory_space<hbm>>) dst(%arg8 : memref<128x256xf32, #tpu.memory_space<vmem>>)
      %dma_start3A = arith.constant 0 : i32
      %dma_start3A_486 = tpu.memref_slice %arg5[%mul3A_117, %dma_start3A] : memref<16384x256xf32, #tpu.memory_space<hbm>> -> memref<128x256xf32, #tpu.memory_space<hbm>>
      %dma_start3A_487 = arith.constant 0 : i32
      %dma_start3A_488 = tpu.memref_slice %arg5[%mul3A_117, %dma_start3A_487] : memref<16384x256xf32, #tpu.memory_space<hbm>> -> memref<128x256xf32, #tpu.memory_space<hbm>>
      tpu.enqueue_dma source(%arg8 : memref<128x256xf32, #tpu.memory_space<vmem>>) target(%dma_start3A_488 : memref<128x256xf32, #tpu.memory_space<hbm>>) target_semaphore(%arg17 : memref<!tpu.dma_semaphore, #tpu.memory_space<semaphore_mem>>)
    } else {
    }
    %convert_element_type3A_432 = arith.extui %eq3A_192 : i1 to i32
    %cond3A_433 = arith.constant 0 : i32
    %cond3A_434 = arith.cmpi ne, %convert_element_type3A_432, %cond3A_433 : i32
    scf.if %cond3A_434 {
      %add3A_483 = arith.constant 0 : i32
      %add3A_484 = arith.addi %mul3A_117, %add3A_483 : i32
      %add3A_485 = arith.constant 32 : i32
      %add3A_486 = arith.addi %mul3A_117, %add3A_485 : i32
      %add3A_487 = arith.constant 64 : i32
      %add3A_488 = arith.addi %mul3A_117, %add3A_487 : i32
      %add3A_489 = arith.constant 96 : i32
      %add3A_490 = arith.addi %mul3A_117, %add3A_489 : i32
      %dma_start3A = arith.constant 0 : i32
      %dma_start3A_491 = tpu.memref_slice %arg5[%add3A_484, %dma_start3A] : memref<16384x256xf32, #tpu.memory_space<hbm>> -> memref<32x256xf32, #tpu.memory_space<hbm>>
      %dma_start3A_492 = arith.constant 0 : i32
      %dma_start3A_493 = tpu.memref_slice %arg5[%add3A_484, %dma_start3A_492] : memref<16384x256xf32, #tpu.memory_space<hbm>> -> memref<32x256xf32, #tpu.memory_space<hbm>>
      tpu.enqueue_dma source(%arg10 : memref<32x256xf32, #tpu.memory_space<vmem>>) target(%dma_start3A_493 : memref<32x256xf32, #tpu.memory_space<hbm>>) target_semaphore(%arg19 : memref<!tpu.dma_semaphore, #tpu.memory_space<semaphore_mem>>)
      %dma_start3A_494 = arith.constant 0 : i32
      %dma_start3A_495 = tpu.memref_slice %arg5[%add3A_486, %dma_start3A_494] : memref<16384x256xf32, #tpu.memory_space<hbm>> -> memref<32x256xf32, #tpu.memory_space<hbm>>
      %dma_start3A_496 = arith.constant 0 : i32
      %dma_start3A_497 = tpu.memref_slice %arg5[%add3A_486, %dma_start3A_496] : memref<16384x256xf32, #tpu.memory_space<hbm>> -> memref<32x256xf32, #tpu.memory_space<hbm>>
      tpu.enqueue_dma source(%arg10 : memref<32x256xf32, #tpu.memory_space<vmem>>) target(%dma_start3A_497 : memref<32x256xf32, #tpu.memory_space<hbm>>) target_semaphore(%arg19 : memref<!tpu.dma_semaphore, #tpu.memory_space<semaphore_mem>>)
      %dma_start3A_498 = arith.constant 0 : i32
      %dma_start3A_499 = tpu.memref_slice %arg5[%add3A_488, %dma_start3A_498] : memref<16384x256xf32, #tpu.memory_space<hbm>> -> memref<32x256xf32, #tpu.memory_space<hbm>>
      %dma_start3A_500 = arith.constant 0 : i32
      %dma_start3A_501 = tpu.memref_slice %arg5[%add3A_488, %dma_start3A_500] : memref<16384x256xf32, #tpu.memory_space<hbm>> -> memref<32x256xf32, #tpu.memory_space<hbm>>
      tpu.enqueue_dma source(%arg10 : memref<32x256xf32, #tpu.memory_space<vmem>>) target(%dma_start3A_501 : memref<32x256xf32, #tpu.memory_space<hbm>>) target_semaphore(%arg19 : memref<!tpu.dma_semaphore, #tpu.memory_space<semaphore_mem>>)
      %dma_start3A_502 = arith.constant 0 : i32
      %dma_start3A_503 = tpu.memref_slice %arg5[%add3A_490, %dma_start3A_502] : memref<16384x256xf32, #tpu.memory_space<hbm>> -> memref<32x256xf32, #tpu.memory_space<hbm>>
      %dma_start3A_504 = arith.constant 0 : i32
      %dma_start3A_505 = tpu.memref_slice %arg5[%add3A_490, %dma_start3A_504] : memref<16384x256xf32, #tpu.memory_space<hbm>> -> memref<32x256xf32, #tpu.memory_space<hbm>>
      tpu.enqueue_dma source(%arg10 : memref<32x256xf32, #tpu.memory_space<vmem>>) target(%dma_start3A_505 : memref<32x256xf32, #tpu.memory_space<hbm>>) target_semaphore(%arg19 : memref<!tpu.dma_semaphore, #tpu.memory_space<semaphore_mem>>)
    } else {
    }
    %convert_element_type3A_435 = arith.extui %and3A_197 : i1 to i32
    %cond3A_436 = arith.constant 0 : i32
    %cond3A_437 = arith.cmpi ne, %convert_element_type3A_435, %cond3A_436 : i32
    scf.if %cond3A_437 {
      %add3A_483 = arith.constant 0 : i32
      %add3A_484 = arith.addi %mul3A_117, %add3A_483 : i32
      %add3A_485 = arith.constant 32 : i32
      %add3A_486 = arith.addi %mul3A_117, %add3A_485 : i32
      %add3A_487 = arith.constant 64 : i32
      %add3A_488 = arith.addi %mul3A_117, %add3A_487 : i32
      %add3A_489 = arith.constant 96 : i32
      %add3A_490 = arith.addi %mul3A_117, %add3A_489 : i32
      %dma_start3A = arith.constant 0 : i32
      %dma_start3A_491 = tpu.memref_slice %arg5[%add3A_484, %dma_start3A] : memref<16384x256xf32, #tpu.memory_space<hbm>> -> memref<32x256xf32, #tpu.memory_space<hbm>>
      %dma_start3A_492 = arith.constant 0 : i32
      %dma_start3A_493 = tpu.memref_slice %arg5[%add3A_484, %dma_start3A_492] : memref<16384x256xf32, #tpu.memory_space<hbm>> -> memref<32x256xf32, #tpu.memory_space<hbm>>
      tpu.enqueue_dma source(%arg10 : memref<32x256xf32, #tpu.memory_space<vmem>>) target(%dma_start3A_493 : memref<32x256xf32, #tpu.memory_space<hbm>>) target_semaphore(%arg19 : memref<!tpu.dma_semaphore, #tpu.memory_space<semaphore_mem>>)
      %dma_start3A_494 = arith.constant 0 : i32
      %dma_start3A_495 = tpu.memref_slice %arg5[%add3A_486, %dma_start3A_494] : memref<16384x256xf32, #tpu.memory_space<hbm>> -> memref<32x256xf32, #tpu.memory_space<hbm>>
      %dma_start3A_496 = arith.constant 0 : i32
      %dma_start3A_497 = tpu.memref_slice %arg5[%add3A_486, %dma_start3A_496] : memref<16384x256xf32, #tpu.memory_space<hbm>> -> memref<32x256xf32, #tpu.memory_space<hbm>>
      tpu.enqueue_dma source(%arg10 : memref<32x256xf32, #tpu.memory_space<vmem>>) target(%dma_start3A_497 : memref<32x256xf32, #tpu.memory_space<hbm>>) target_semaphore(%arg19 : memref<!tpu.dma_semaphore, #tpu.memory_space<semaphore_mem>>)
      %dma_start3A_498 = arith.constant 0 : i32
      %dma_start3A_499 = tpu.memref_slice %arg5[%add3A_488, %dma_start3A_498] : memref<16384x256xf32, #tpu.memory_space<hbm>> -> memref<32x256xf32, #tpu.memory_space<hbm>>
      %dma_start3A_500 = arith.constant 0 : i32
      %dma_start3A_501 = tpu.memref_slice %arg5[%add3A_488, %dma_start3A_500] : memref<16384x256xf32, #tpu.memory_space<hbm>> -> memref<32x256xf32, #tpu.memory_space<hbm>>
      tpu.enqueue_dma source(%arg10 : memref<32x256xf32, #tpu.memory_space<vmem>>) target(%dma_start3A_501 : memref<32x256xf32, #tpu.memory_space<hbm>>) target_semaphore(%arg19 : memref<!tpu.dma_semaphore, #tpu.memory_space<semaphore_mem>>)
      %dma_start3A_502 = arith.constant 0 : i32
      %dma_start3A_503 = tpu.memref_slice %arg5[%add3A_490, %dma_start3A_502] : memref<16384x256xf32, #tpu.memory_space<hbm>> -> memref<32x256xf32, #tpu.memory_space<hbm>>
      %dma_start3A_504 = arith.constant 0 : i32
      %dma_start3A_505 = tpu.memref_slice %arg5[%add3A_490, %dma_start3A_504] : memref<16384x256xf32, #tpu.memory_space<hbm>> -> memref<32x256xf32, #tpu.memory_space<hbm>>
      tpu.enqueue_dma source(%arg10 : memref<32x256xf32, #tpu.memory_space<vmem>>) target(%dma_start3A_505 : memref<32x256xf32, #tpu.memory_space<hbm>>) target_semaphore(%arg19 : memref<!tpu.dma_semaphore, #tpu.memory_space<semaphore_mem>>)
      %add3A_506 = arith.constant 0 : i32
      %add3A_507 = arith.addi %mul3A_117, %add3A_506 : i32
      %add3A_508 = arith.constant 32 : i32
      %add3A_509 = arith.addi %mul3A_117, %add3A_508 : i32
      %add3A_510 = arith.constant 64 : i32
      %add3A_511 = arith.addi %mul3A_117, %add3A_510 : i32
      %add3A_512 = arith.constant 96 : i32
      %add3A_513 = arith.addi %mul3A_117, %add3A_512 : i32
      %dma_wait3A = arith.constant 0 : i32
      %dma_wait3A_514 = tpu.memref_slice %arg5[%add3A_507, %dma_wait3A] : memref<16384x256xf32, #tpu.memory_space<hbm>> -> memref<32x256xf32, #tpu.memory_space<hbm>>
      %dma_wait3A_515 = arith.constant 0 : i32
      %dma_wait3A_516 = tpu.memref_slice %arg5[%add3A_507, %dma_wait3A_515] : memref<16384x256xf32, #tpu.memory_space<hbm>> -> memref<32x256xf32, #tpu.memory_space<hbm>>
      tpu.wait_dma2 semaphore(%arg19 : memref<!tpu.dma_semaphore, #tpu.memory_space<semaphore_mem>>) src(%arg10 : memref<32x256xf32, #tpu.memory_space<vmem>>) dst(%dma_wait3A_516 : memref<32x256xf32, #tpu.memory_space<hbm>>)
      %dma_wait3A_517 = arith.constant 0 : i32
      %dma_wait3A_518 = tpu.memref_slice %arg5[%add3A_509, %dma_wait3A_517] : memref<16384x256xf32, #tpu.memory_space<hbm>> -> memref<32x256xf32, #tpu.memory_space<hbm>>
      %dma_wait3A_519 = arith.constant 0 : i32
      %dma_wait3A_520 = tpu.memref_slice %arg5[%add3A_509, %dma_wait3A_519] : memref<16384x256xf32, #tpu.memory_space<hbm>> -> memref<32x256xf32, #tpu.memory_space<hbm>>
      tpu.wait_dma2 semaphore(%arg19 : memref<!tpu.dma_semaphore, #tpu.memory_space<semaphore_mem>>) src(%arg10 : memref<32x256xf32, #tpu.memory_space<vmem>>) dst(%dma_wait3A_520 : memref<32x256xf32, #tpu.memory_space<hbm>>)
      %dma_wait3A_521 = arith.constant 0 : i32
      %dma_wait3A_522 = tpu.memref_slice %arg5[%add3A_511, %dma_wait3A_521] : memref<16384x256xf32, #tpu.memory_space<hbm>> -> memref<32x256xf32, #tpu.memory_space<hbm>>
      %dma_wait3A_523 = arith.constant 0 : i32
      %dma_wait3A_524 = tpu.memref_slice %arg5[%add3A_511, %dma_wait3A_523] : memref<16384x256xf32, #tpu.memory_space<hbm>> -> memref<32x256xf32, #tpu.memory_space<hbm>>
      tpu.wait_dma2 semaphore(%arg19 : memref<!tpu.dma_semaphore, #tpu.memory_space<semaphore_mem>>) src(%arg10 : memref<32x256xf32, #tpu.memory_space<vmem>>) dst(%dma_wait3A_524 : memref<32x256xf32, #tpu.memory_space<hbm>>)
      %dma_wait3A_525 = arith.constant 0 : i32
      %dma_wait3A_526 = tpu.memref_slice %arg5[%add3A_513, %dma_wait3A_525] : memref<16384x256xf32, #tpu.memory_space<hbm>> -> memref<32x256xf32, #tpu.memory_space<hbm>>
      %dma_wait3A_527 = arith.constant 0 : i32
      %dma_wait3A_528 = tpu.memref_slice %arg5[%add3A_513, %dma_wait3A_527] : memref<16384x256xf32, #tpu.memory_space<hbm>> -> memref<32x256xf32, #tpu.memory_space<hbm>>
      tpu.wait_dma2 semaphore(%arg19 : memref<!tpu.dma_semaphore, #tpu.memory_space<semaphore_mem>>) src(%arg10 : memref<32x256xf32, #tpu.memory_space<vmem>>) dst(%dma_wait3A_528 : memref<32x256xf32, #tpu.memory_space<hbm>>)
      %add3A_529 = arith.constant 7 : i32
      %add3A_530 = arith.addi %min3A_177, %add3A_529 : i32
      %jit3A_531 = arith.constant 8 : i32
      %div3A_532 = arith.divsi %add3A_530, %jit3A_531 : i32
      %sign3A_533 = arith.constant 0 : i32
      %sign3A_534 = arith.cmpi sgt, %add3A_530, %sign3A_533 : i32
      %sign3A_535 = arith.extui %sign3A_534 : i1 to i32
      %sign3A_536 = arith.constant 0 : i32
      %sign3A_537 = arith.cmpi slt, %add3A_530, %sign3A_536 : i32
      %sign3A_538 = arith.extui %sign3A_537 : i1 to i32
      %sign3A_539 = arith.subi %sign3A_535, %sign3A_538 : i32
      %sign3A_540 = arith.constant 0 : i32
      %sign3A_541 = arith.cmpi sgt, %jit3A_531, %sign3A_540 : i32
      %sign3A_542 = arith.extui %sign3A_541 : i1 to i32
      %sign3A_543 = arith.constant 0 : i32
      %sign3A_544 = arith.cmpi slt, %jit3A_531, %sign3A_543 : i32
      %sign3A_545 = arith.extui %sign3A_544 : i1 to i32
      %sign3A_546 = arith.subi %sign3A_542, %sign3A_545 : i32
      %ne3A_547 = arith.cmpi ne, %sign3A_539, %sign3A_546 : i32
      %rem3A_548 = arith.remsi %add3A_530, %jit3A_531 : i32
      %ne3A_549 = arith.constant 0 : i32
      %ne3A_550 = arith.cmpi ne, %rem3A_548, %ne3A_549 : i32
      %and3A_551 = arith.andi %ne3A_547, %ne3A_550 : i1
      %sub3A_552 = arith.constant 1 : i32
      %sub3A_553 = arith.subi %div3A_532, %sub3A_552 : i32
      %select_n3A_554 = arith.select %and3A_551, %sub3A_553, %div3A_532 : i32
      %mul3A_555 = arith.constant 8 : i32
      %mul3A_556 = arith.muli %select_n3A_554, %mul3A_555 : i32
      %jit3A_557 = arith.constant 8 : i32
      %div3A_558 = arith.divsi %max3A_184, %jit3A_557 : i32
      %sign3A_559 = arith.constant 0 : i32
      %sign3A_560 = arith.cmpi sgt, %max3A_184, %sign3A_559 : i32
      %sign3A_561 = arith.extui %sign3A_560 : i1 to i32
      %sign3A_562 = arith.constant 0 : i32
      %sign3A_563 = arith.cmpi slt, %max3A_184, %sign3A_562 : i32
      %sign3A_564 = arith.extui %sign3A_563 : i1 to i32
      %sign3A_565 = arith.subi %sign3A_561, %sign3A_564 : i32
      %sign3A_566 = arith.constant 0 : i32
      %sign3A_567 = arith.cmpi sgt, %jit3A_557, %sign3A_566 : i32
      %sign3A_568 = arith.extui %sign3A_567 : i1 to i32
      %sign3A_569 = arith.constant 0 : i32
      %sign3A_570 = arith.cmpi slt, %jit3A_557, %sign3A_569 : i32
      %sign3A_571 = arith.extui %sign3A_570 : i1 to i32
      %sign3A_572 = arith.subi %sign3A_568, %sign3A_571 : i32
      %ne3A_573 = arith.cmpi ne, %sign3A_565, %sign3A_572 : i32
      %rem3A_574 = arith.remsi %max3A_184, %jit3A_557 : i32
      %ne3A_575 = arith.constant 0 : i32
      %ne3A_576 = arith.cmpi ne, %rem3A_574, %ne3A_575 : i32
      %and3A_577 = arith.andi %ne3A_573, %ne3A_576 : i1
      %sub3A_578 = arith.constant 1 : i32
      %sub3A_579 = arith.subi %div3A_558, %sub3A_578 : i32
      %select_n3A_580 = arith.select %and3A_577, %sub3A_579, %div3A_558 : i32
      %mul3A_581 = arith.constant 8 : i32
      %mul3A_582 = arith.muli %select_n3A_580, %mul3A_581 : i32
      %scan3A = arith.constant 0 : i32
      %scan3A_583 = arith.constant 0 : i32
      %scan3A_584 = arith.constant 16 : i32
      %scan3A_585 = arith.addi %scan3A_583, %scan3A_584 : i32
      %scan3A_586 = arith.constant 1 : i32
      scf.for %scan3A_588 = %scan3A_583 to %scan3A_585 step %scan3A_586  : i32 {
        %mul3A_589 = arith.constant 8 : i32
        %mul3A_590 = arith.muli %scan3A_588, %mul3A_589 : i32
        %ge3A = arith.cmpi sge, %mul3A_590, %mul3A_556 : i32
        %lt3A_591 = arith.cmpi slt, %mul3A_590, %mul3A_582 : i32
        %and3A_592 = arith.andi %ge3A, %lt3A_591 : i1
        %convert_element_type3A_593 = arith.extui %and3A_592 : i1 to i32
        %cond3A_594 = arith.constant 0 : i32
        %cond3A_595 = arith.cmpi ne, %convert_element_type3A_593, %cond3A_594 : i32
        scf.if %cond3A_595 {
          %add3A_596 = arith.addi %sub3A_186, %mul3A_590 : i32
          %multiple_of3A = tpu.assume_multiple %add3A_596, 8 : i32
          "tpu.region"() ({
            %run_scoped3A = tpu.sem_alloc : memref<!tpu.dma_semaphore, #tpu.memory_space<semaphore_mem>>
            %dma_start3A_598 = arith.constant 0 : i32
            %dma_start3A_599 = tpu.memref_slice %arg2[%multiple_of3A, %dma_start3A_598] : memref<8192x256xf32, #tpu.memory_space<hbm>> -> memref<8x256xf32, #tpu.memory_space<hbm>>
            %dma_start3A_600 = arith.constant 0 : i32
            %dma_start3A_601 = tpu.memref_slice %arg2[%multiple_of3A, %dma_start3A_600] : memref<8192x256xf32, #tpu.memory_space<hbm>> -> memref<8x256xf32, #tpu.memory_space<hbm>>
            tpu.enqueue_dma source(%dma_start3A_601 : memref<8x256xf32, #tpu.memory_space<hbm>>) target(%arg11 : memref<8x256xf32, #tpu.memory_space<vmem>>) target_semaphore(%run_scoped3A : memref<!tpu.dma_semaphore, #tpu.memory_space<semaphore_mem>>)
            %dma_wait3A_602 = arith.constant 0 : i32
            %dma_wait3A_603 = tpu.memref_slice %arg2[%multiple_of3A, %dma_wait3A_602] : memref<8192x256xf32, #tpu.memory_space<hbm>> -> memref<8x256xf32, #tpu.memory_space<hbm>>
            %dma_wait3A_604 = arith.constant 0 : i32
            %dma_wait3A_605 = tpu.memref_slice %arg2[%multiple_of3A, %dma_wait3A_604] : memref<8192x256xf32, #tpu.memory_space<hbm>> -> memref<8x256xf32, #tpu.memory_space<hbm>>
            tpu.wait_dma2 semaphore(%run_scoped3A : memref<!tpu.dma_semaphore, #tpu.memory_space<semaphore_mem>>) src(%dma_wait3A_605 : memref<8x256xf32, #tpu.memory_space<hbm>>) dst(%arg11 : memref<8x256xf32, #tpu.memory_space<vmem>>)
            tpu.yield
          }) : () -> ()
          %add3A_597 = arith.addi %mul3A_117, %mul3A_590 : i32
          "tpu.region"() ({
            %run_scoped3A = tpu.sem_alloc : memref<!tpu.dma_semaphore, #tpu.memory_space<semaphore_mem>>
            %dma_start3A_598 = arith.constant 0 : i32
            %dma_start3A_599 = tpu.memref_slice %arg5[%add3A_597, %dma_start3A_598] : memref<16384x256xf32, #tpu.memory_space<hbm>> -> memref<8x256xf32, #tpu.memory_space<hbm>>
            %dma_start3A_600 = arith.constant 0 : i32
            %dma_start3A_601 = tpu.memref_slice %arg5[%add3A_597, %dma_start3A_600] : memref<16384x256xf32, #tpu.memory_space<hbm>> -> memref<8x256xf32, #tpu.memory_space<hbm>>
            tpu.enqueue_dma source(%arg11 : memref<8x256xf32, #tpu.memory_space<vmem>>) target(%dma_start3A_601 : memref<8x256xf32, #tpu.memory_space<hbm>>) target_semaphore(%run_scoped3A : memref<!tpu.dma_semaphore, #tpu.memory_space<semaphore_mem>>)
            %dma_wait3A_602 = arith.constant 0 : i32
            %dma_wait3A_603 = tpu.memref_slice %arg5[%add3A_597, %dma_wait3A_602] : memref<16384x256xf32, #tpu.memory_space<hbm>> -> memref<8x256xf32, #tpu.memory_space<hbm>>
            %dma_wait3A_604 = arith.constant 0 : i32
            %dma_wait3A_605 = tpu.memref_slice %arg5[%add3A_597, %dma_wait3A_604] : memref<16384x256xf32, #tpu.memory_space<hbm>> -> memref<8x256xf32, #tpu.memory_space<hbm>>
            tpu.wait_dma2 semaphore(%run_scoped3A : memref<!tpu.dma_semaphore, #tpu.memory_space<semaphore_mem>>) src(%arg11 : memref<8x256xf32, #tpu.memory_space<vmem>>) dst(%dma_wait3A_605 : memref<8x256xf32, #tpu.memory_space<hbm>>)
            tpu.yield
          }) : () -> ()
        } else {
        }
      }
      %scan3A_587 = arith.constant 16 : i32
    } else {
    }
    %convert_element_type3A_438 = arith.extui %and3A_295 : i1 to i32
    %cond3A_439 = arith.constant 0 : i32
    %cond3A_440 = arith.cmpi ne, %convert_element_type3A_438, %cond3A_439 : i32
    scf.if %cond3A_440 {
      %multiple_of3A = tpu.assume_multiple %sub3A_290, 8 : i32
      %dma_wait3A = arith.constant 0 : i32
      %dma_wait3A_483 = tpu.memref_slice %arg2[%multiple_of3A, %dma_wait3A] : memref<8192x256xf32, #tpu.memory_space<hbm>> -> memref<128x256xf32, #tpu.memory_space<hbm>>
      %dma_wait3A_484 = arith.constant 0 : i32
      %dma_wait3A_485 = tpu.memref_slice %arg2[%multiple_of3A, %dma_wait3A_484] : memref<8192x256xf32, #tpu.memory_space<hbm>> -> memref<128x256xf32, #tpu.memory_space<hbm>>
      tpu.wait_dma2 semaphore(%arg15 : memref<!tpu.dma_semaphore, #tpu.memory_space<semaphore_mem>>) src(%dma_wait3A_485 : memref<128x256xf32, #tpu.memory_space<hbm>>) dst(%arg9 : memref<128x256xf32, #tpu.memory_space<vmem>>)
      %dma_start3A = arith.constant 0 : i32
      %dma_start3A_486 = tpu.memref_slice %arg5[%mul3A_221, %dma_start3A] : memref<16384x256xf32, #tpu.memory_space<hbm>> -> memref<128x256xf32, #tpu.memory_space<hbm>>
      %dma_start3A_487 = arith.constant 0 : i32
      %dma_start3A_488 = tpu.memref_slice %arg5[%mul3A_221, %dma_start3A_487] : memref<16384x256xf32, #tpu.memory_space<hbm>> -> memref<128x256xf32, #tpu.memory_space<hbm>>
      tpu.enqueue_dma source(%arg9 : memref<128x256xf32, #tpu.memory_space<vmem>>) target(%dma_start3A_488 : memref<128x256xf32, #tpu.memory_space<hbm>>) target_semaphore(%arg18 : memref<!tpu.dma_semaphore, #tpu.memory_space<semaphore_mem>>)
    } else {
    }
    %convert_element_type3A_441 = arith.extui %eq3A_296 : i1 to i32
    %cond3A_442 = arith.constant 0 : i32
    %cond3A_443 = arith.cmpi ne, %convert_element_type3A_441, %cond3A_442 : i32
    scf.if %cond3A_443 {
      %add3A_483 = arith.constant 0 : i32
      %add3A_484 = arith.addi %mul3A_221, %add3A_483 : i32
      %add3A_485 = arith.constant 32 : i32
      %add3A_486 = arith.addi %mul3A_221, %add3A_485 : i32
      %add3A_487 = arith.constant 64 : i32
      %add3A_488 = arith.addi %mul3A_221, %add3A_487 : i32
      %add3A_489 = arith.constant 96 : i32
      %add3A_490 = arith.addi %mul3A_221, %add3A_489 : i32
      %dma_start3A = arith.constant 0 : i32
      %dma_start3A_491 = tpu.memref_slice %arg5[%add3A_484, %dma_start3A] : memref<16384x256xf32, #tpu.memory_space<hbm>> -> memref<32x256xf32, #tpu.memory_space<hbm>>
      %dma_start3A_492 = arith.constant 0 : i32
      %dma_start3A_493 = tpu.memref_slice %arg5[%add3A_484, %dma_start3A_492] : memref<16384x256xf32, #tpu.memory_space<hbm>> -> memref<32x256xf32, #tpu.memory_space<hbm>>
      tpu.enqueue_dma source(%arg10 : memref<32x256xf32, #tpu.memory_space<vmem>>) target(%dma_start3A_493 : memref<32x256xf32, #tpu.memory_space<hbm>>) target_semaphore(%arg19 : memref<!tpu.dma_semaphore, #tpu.memory_space<semaphore_mem>>)
      %dma_start3A_494 = arith.constant 0 : i32
      %dma_start3A_495 = tpu.memref_slice %arg5[%add3A_486, %dma_start3A_494] : memref<16384x256xf32, #tpu.memory_space<hbm>> -> memref<32x256xf32, #tpu.memory_space<hbm>>
      %dma_start3A_496 = arith.constant 0 : i32
      %dma_start3A_497 = tpu.memref_slice %arg5[%add3A_486, %dma_start3A_496] : memref<16384x256xf32, #tpu.memory_space<hbm>> -> memref<32x256xf32, #tpu.memory_space<hbm>>
      tpu.enqueue_dma source(%arg10 : memref<32x256xf32, #tpu.memory_space<vmem>>) target(%dma_start3A_497 : memref<32x256xf32, #tpu.memory_space<hbm>>) target_semaphore(%arg19 : memref<!tpu.dma_semaphore, #tpu.memory_space<semaphore_mem>>)
      %dma_start3A_498 = arith.constant 0 : i32
      %dma_start3A_499 = tpu.memref_slice %arg5[%add3A_488, %dma_start3A_498] : memref<16384x256xf32, #tpu.memory_space<hbm>> -> memref<32x256xf32, #tpu.memory_space<hbm>>
      %dma_start3A_500 = arith.constant 0 : i32
      %dma_start3A_501 = tpu.memref_slice %arg5[%add3A_488, %dma_start3A_500] : memref<16384x256xf32, #tpu.memory_space<hbm>> -> memref<32x256xf32, #tpu.memory_space<hbm>>
      tpu.enqueue_dma source(%arg10 : memref<32x256xf32, #tpu.memory_space<vmem>>) target(%dma_start3A_501 : memref<32x256xf32, #tpu.memory_space<hbm>>) target_semaphore(%arg19 : memref<!tpu.dma_semaphore, #tpu.memory_space<semaphore_mem>>)
      %dma_start3A_502 = arith.constant 0 : i32
      %dma_start3A_503 = tpu.memref_slice %arg5[%add3A_490, %dma_start3A_502] : memref<16384x256xf32, #tpu.memory_space<hbm>> -> memref<32x256xf32, #tpu.memory_space<hbm>>
      %dma_start3A_504 = arith.constant 0 : i32
      %dma_start3A_505 = tpu.memref_slice %arg5[%add3A_490, %dma_start3A_504] : memref<16384x256xf32, #tpu.memory_space<hbm>> -> memref<32x256xf32, #tpu.memory_space<hbm>>
      tpu.enqueue_dma source(%arg10 : memref<32x256xf32, #tpu.memory_space<vmem>>) target(%dma_start3A_505 : memref<32x256xf32, #tpu.memory_space<hbm>>) target_semaphore(%arg19 : memref<!tpu.dma_semaphore, #tpu.memory_space<semaphore_mem>>)
    } else {
    }
    %convert_element_type3A_444 = arith.extui %and3A_301 : i1 to i32
    %cond3A_445 = arith.constant 0 : i32
    %cond3A_446 = arith.cmpi ne, %convert_element_type3A_444, %cond3A_445 : i32
    scf.if %cond3A_446 {
      %add3A_483 = arith.constant 0 : i32
      %add3A_484 = arith.addi %mul3A_221, %add3A_483 : i32
      %add3A_485 = arith.constant 32 : i32
      %add3A_486 = arith.addi %mul3A_221, %add3A_485 : i32
      %add3A_487 = arith.constant 64 : i32
      %add3A_488 = arith.addi %mul3A_221, %add3A_487 : i32
      %add3A_489 = arith.constant 96 : i32
      %add3A_490 = arith.addi %mul3A_221, %add3A_489 : i32
      %dma_start3A = arith.constant 0 : i32
      %dma_start3A_491 = tpu.memref_slice %arg5[%add3A_484, %dma_start3A] : memref<16384x256xf32, #tpu.memory_space<hbm>> -> memref<32x256xf32, #tpu.memory_space<hbm>>
      %dma_start3A_492 = arith.constant 0 : i32
      %dma_start3A_493 = tpu.memref_slice %arg5[%add3A_484, %dma_start3A_492] : memref<16384x256xf32, #tpu.memory_space<hbm>> -> memref<32x256xf32, #tpu.memory_space<hbm>>
      tpu.enqueue_dma source(%arg10 : memref<32x256xf32, #tpu.memory_space<vmem>>) target(%dma_start3A_493 : memref<32x256xf32, #tpu.memory_space<hbm>>) target_semaphore(%arg19 : memref<!tpu.dma_semaphore, #tpu.memory_space<semaphore_mem>>)
      %dma_start3A_494 = arith.constant 0 : i32
      %dma_start3A_495 = tpu.memref_slice %arg5[%add3A_486, %dma_start3A_494] : memref<16384x256xf32, #tpu.memory_space<hbm>> -> memref<32x256xf32, #tpu.memory_space<hbm>>
      %dma_start3A_496 = arith.constant 0 : i32
      %dma_start3A_497 = tpu.memref_slice %arg5[%add3A_486, %dma_start3A_496] : memref<16384x256xf32, #tpu.memory_space<hbm>> -> memref<32x256xf32, #tpu.memory_space<hbm>>
      tpu.enqueue_dma source(%arg10 : memref<32x256xf32, #tpu.memory_space<vmem>>) target(%dma_start3A_497 : memref<32x256xf32, #tpu.memory_space<hbm>>) target_semaphore(%arg19 : memref<!tpu.dma_semaphore, #tpu.memory_space<semaphore_mem>>)
      %dma_start3A_498 = arith.constant 0 : i32
      %dma_start3A_499 = tpu.memref_slice %arg5[%add3A_488, %dma_start3A_498] : memref<16384x256xf32, #tpu.memory_space<hbm>> -> memref<32x256xf32, #tpu.memory_space<hbm>>
      %dma_start3A_500 = arith.constant 0 : i32
      %dma_start3A_501 = tpu.memref_slice %arg5[%add3A_488, %dma_start3A_500] : memref<16384x256xf32, #tpu.memory_space<hbm>> -> memref<32x256xf32, #tpu.memory_space<hbm>>
      tpu.enqueue_dma source(%arg10 : memref<32x256xf32, #tpu.memory_space<vmem>>) target(%dma_start3A_501 : memref<32x256xf32, #tpu.memory_space<hbm>>) target_semaphore(%arg19 : memref<!tpu.dma_semaphore, #tpu.memory_space<semaphore_mem>>)
      %dma_start3A_502 = arith.constant 0 : i32
      %dma_start3A_503 = tpu.memref_slice %arg5[%add3A_490, %dma_start3A_502] : memref<16384x256xf32, #tpu.memory_space<hbm>> -> memref<32x256xf32, #tpu.memory_space<hbm>>
      %dma_start3A_504 = arith.constant 0 : i32
      %dma_start3A_505 = tpu.memref_slice %arg5[%add3A_490, %dma_start3A_504] : memref<16384x256xf32, #tpu.memory_space<hbm>> -> memref<32x256xf32, #tpu.memory_space<hbm>>
      tpu.enqueue_dma source(%arg10 : memref<32x256xf32, #tpu.memory_space<vmem>>) target(%dma_start3A_505 : memref<32x256xf32, #tpu.memory_space<hbm>>) target_semaphore(%arg19 : memref<!tpu.dma_semaphore, #tpu.memory_space<semaphore_mem>>)
      %add3A_506 = arith.constant 0 : i32
      %add3A_507 = arith.addi %mul3A_221, %add3A_506 : i32
      %add3A_508 = arith.constant 32 : i32
      %add3A_509 = arith.addi %mul3A_221, %add3A_508 : i32
      %add3A_510 = arith.constant 64 : i32
      %add3A_511 = arith.addi %mul3A_221, %add3A_510 : i32
      %add3A_512 = arith.constant 96 : i32
      %add3A_513 = arith.addi %mul3A_221, %add3A_512 : i32
      %dma_wait3A = arith.constant 0 : i32
      %dma_wait3A_514 = tpu.memref_slice %arg5[%add3A_507, %dma_wait3A] : memref<16384x256xf32, #tpu.memory_space<hbm>> -> memref<32x256xf32, #tpu.memory_space<hbm>>
      %dma_wait3A_515 = arith.constant 0 : i32
      %dma_wait3A_516 = tpu.memref_slice %arg5[%add3A_507, %dma_wait3A_515] : memref<16384x256xf32, #tpu.memory_space<hbm>> -> memref<32x256xf32, #tpu.memory_space<hbm>>
      tpu.wait_dma2 semaphore(%arg19 : memref<!tpu.dma_semaphore, #tpu.memory_space<semaphore_mem>>) src(%arg10 : memref<32x256xf32, #tpu.memory_space<vmem>>) dst(%dma_wait3A_516 : memref<32x256xf32, #tpu.memory_space<hbm>>)
      %dma_wait3A_517 = arith.constant 0 : i32
      %dma_wait3A_518 = tpu.memref_slice %arg5[%add3A_509, %dma_wait3A_517] : memref<16384x256xf32, #tpu.memory_space<hbm>> -> memref<32x256xf32, #tpu.memory_space<hbm>>
      %dma_wait3A_519 = arith.constant 0 : i32
      %dma_wait3A_520 = tpu.memref_slice %arg5[%add3A_509, %dma_wait3A_519] : memref<16384x256xf32, #tpu.memory_space<hbm>> -> memref<32x256xf32, #tpu.memory_space<hbm>>
      tpu.wait_dma2 semaphore(%arg19 : memref<!tpu.dma_semaphore, #tpu.memory_space<semaphore_mem>>) src(%arg10 : memref<32x256xf32, #tpu.memory_space<vmem>>) dst(%dma_wait3A_520 : memref<32x256xf32, #tpu.memory_space<hbm>>)
      %dma_wait3A_521 = arith.constant 0 : i32
      %dma_wait3A_522 = tpu.memref_slice %arg5[%add3A_511, %dma_wait3A_521] : memref<16384x256xf32, #tpu.memory_space<hbm>> -> memref<32x256xf32, #tpu.memory_space<hbm>>
      %dma_wait3A_523 = arith.constant 0 : i32
      %dma_wait3A_524 = tpu.memref_slice %arg5[%add3A_511, %dma_wait3A_523] : memref<16384x256xf32, #tpu.memory_space<hbm>> -> memref<32x256xf32, #tpu.memory_space<hbm>>
      tpu.wait_dma2 semaphore(%arg19 : memref<!tpu.dma_semaphore, #tpu.memory_space<semaphore_mem>>) src(%arg10 : memref<32x256xf32, #tpu.memory_space<vmem>>) dst(%dma_wait3A_524 : memref<32x256xf32, #tpu.memory_space<hbm>>)
      %dma_wait3A_525 = arith.constant 0 : i32
      %dma_wait3A_526 = tpu.memref_slice %arg5[%add3A_513, %dma_wait3A_525] : memref<16384x256xf32, #tpu.memory_space<hbm>> -> memref<32x256xf32, #tpu.memory_space<hbm>>
      %dma_wait3A_527 = arith.constant 0 : i32
      %dma_wait3A_528 = tpu.memref_slice %arg5[%add3A_513, %dma_wait3A_527] : memref<16384x256xf32, #tpu.memory_space<hbm>> -> memref<32x256xf32, #tpu.memory_space<hbm>>
      tpu.wait_dma2 semaphore(%arg19 : memref<!tpu.dma_semaphore, #tpu.memory_space<semaphore_mem>>) src(%arg10 : memref<32x256xf32, #tpu.memory_space<vmem>>) dst(%dma_wait3A_528 : memref<32x256xf32, #tpu.memory_space<hbm>>)
      %add3A_529 = arith.constant 7 : i32
      %add3A_530 = arith.addi %min3A_281, %add3A_529 : i32
      %jit3A_531 = arith.constant 8 : i32
      %div3A_532 = arith.divsi %add3A_530, %jit3A_531 : i32
      %sign3A_533 = arith.constant 0 : i32
      %sign3A_534 = arith.cmpi sgt, %add3A_530, %sign3A_533 : i32
      %sign3A_535 = arith.extui %sign3A_534 : i1 to i32
      %sign3A_536 = arith.constant 0 : i32
      %sign3A_537 = arith.cmpi slt, %add3A_530, %sign3A_536 : i32
      %sign3A_538 = arith.extui %sign3A_537 : i1 to i32
      %sign3A_539 = arith.subi %sign3A_535, %sign3A_538 : i32
      %sign3A_540 = arith.constant 0 : i32
      %sign3A_541 = arith.cmpi sgt, %jit3A_531, %sign3A_540 : i32
      %sign3A_542 = arith.extui %sign3A_541 : i1 to i32
      %sign3A_543 = arith.constant 0 : i32
      %sign3A_544 = arith.cmpi slt, %jit3A_531, %sign3A_543 : i32
      %sign3A_545 = arith.extui %sign3A_544 : i1 to i32
      %sign3A_546 = arith.subi %sign3A_542, %sign3A_545 : i32
      %ne3A_547 = arith.cmpi ne, %sign3A_539, %sign3A_546 : i32
      %rem3A_548 = arith.remsi %add3A_530, %jit3A_531 : i32
      %ne3A_549 = arith.constant 0 : i32
      %ne3A_550 = arith.cmpi ne, %rem3A_548, %ne3A_549 : i32
      %and3A_551 = arith.andi %ne3A_547, %ne3A_550 : i1
      %sub3A_552 = arith.constant 1 : i32
      %sub3A_553 = arith.subi %div3A_532, %sub3A_552 : i32
      %select_n3A_554 = arith.select %and3A_551, %sub3A_553, %div3A_532 : i32
      %mul3A_555 = arith.constant 8 : i32
      %mul3A_556 = arith.muli %select_n3A_554, %mul3A_555 : i32
      %jit3A_557 = arith.constant 8 : i32
      %div3A_558 = arith.divsi %max3A_288, %jit3A_557 : i32
      %sign3A_559 = arith.constant 0 : i32
      %sign3A_560 = arith.cmpi sgt, %max3A_288, %sign3A_559 : i32
      %sign3A_561 = arith.extui %sign3A_560 : i1 to i32
      %sign3A_562 = arith.constant 0 : i32
      %sign3A_563 = arith.cmpi slt, %max3A_288, %sign3A_562 : i32
      %sign3A_564 = arith.extui %sign3A_563 : i1 to i32
      %sign3A_565 = arith.subi %sign3A_561, %sign3A_564 : i32
      %sign3A_566 = arith.constant 0 : i32
      %sign3A_567 = arith.cmpi sgt, %jit3A_557, %sign3A_566 : i32
      %sign3A_568 = arith.extui %sign3A_567 : i1 to i32
      %sign3A_569 = arith.constant 0 : i32
      %sign3A_570 = arith.cmpi slt, %jit3A_557, %sign3A_569 : i32
      %sign3A_571 = arith.extui %sign3A_570 : i1 to i32
      %sign3A_572 = arith.subi %sign3A_568, %sign3A_571 : i32
      %ne3A_573 = arith.cmpi ne, %sign3A_565, %sign3A_572 : i32
      %rem3A_574 = arith.remsi %max3A_288, %jit3A_557 : i32
      %ne3A_575 = arith.constant 0 : i32
      %ne3A_576 = arith.cmpi ne, %rem3A_574, %ne3A_575 : i32
      %and3A_577 = arith.andi %ne3A_573, %ne3A_576 : i1
      %sub3A_578 = arith.constant 1 : i32
      %sub3A_579 = arith.subi %div3A_558, %sub3A_578 : i32
      %select_n3A_580 = arith.select %and3A_577, %sub3A_579, %div3A_558 : i32
      %mul3A_581 = arith.constant 8 : i32
      %mul3A_582 = arith.muli %select_n3A_580, %mul3A_581 : i32
      %scan3A = arith.constant 0 : i32
      %scan3A_583 = arith.constant 0 : i32
      %scan3A_584 = arith.constant 16 : i32
      %scan3A_585 = arith.addi %scan3A_583, %scan3A_584 : i32
      %scan3A_586 = arith.constant 1 : i32
      scf.for %scan3A_588 = %scan3A_583 to %scan3A_585 step %scan3A_586  : i32 {
        %mul3A_589 = arith.constant 8 : i32
        %mul3A_590 = arith.muli %scan3A_588, %mul3A_589 : i32
        %ge3A = arith.cmpi sge, %mul3A_590, %mul3A_556 : i32
        %lt3A_591 = arith.cmpi slt, %mul3A_590, %mul3A_582 : i32
        %and3A_592 = arith.andi %ge3A, %lt3A_591 : i1
        %convert_element_type3A_593 = arith.extui %and3A_592 : i1 to i32
        %cond3A_594 = arith.constant 0 : i32
        %cond3A_595 = arith.cmpi ne, %convert_element_type3A_593, %cond3A_594 : i32
        scf.if %cond3A_595 {
          %add3A_596 = arith.addi %sub3A_290, %mul3A_590 : i32
          %multiple_of3A = tpu.assume_multiple %add3A_596, 8 : i32
          "tpu.region"() ({
            %run_scoped3A = tpu.sem_alloc : memref<!tpu.dma_semaphore, #tpu.memory_space<semaphore_mem>>
            %dma_start3A_598 = arith.constant 0 : i32
            %dma_start3A_599 = tpu.memref_slice %arg2[%multiple_of3A, %dma_start3A_598] : memref<8192x256xf32, #tpu.memory_space<hbm>> -> memref<8x256xf32, #tpu.memory_space<hbm>>
            %dma_start3A_600 = arith.constant 0 : i32
            %dma_start3A_601 = tpu.memref_slice %arg2[%multiple_of3A, %dma_start3A_600] : memref<8192x256xf32, #tpu.memory_space<hbm>> -> memref<8x256xf32, #tpu.memory_space<hbm>>
            tpu.enqueue_dma source(%dma_start3A_601 : memref<8x256xf32, #tpu.memory_space<hbm>>) target(%arg11 : memref<8x256xf32, #tpu.memory_space<vmem>>) target_semaphore(%run_scoped3A : memref<!tpu.dma_semaphore, #tpu.memory_space<semaphore_mem>>)
            %dma_wait3A_602 = arith.constant 0 : i32
            %dma_wait3A_603 = tpu.memref_slice %arg2[%multiple_of3A, %dma_wait3A_602] : memref<8192x256xf32, #tpu.memory_space<hbm>> -> memref<8x256xf32, #tpu.memory_space<hbm>>
            %dma_wait3A_604 = arith.constant 0 : i32
            %dma_wait3A_605 = tpu.memref_slice %arg2[%multiple_of3A, %dma_wait3A_604] : memref<8192x256xf32, #tpu.memory_space<hbm>> -> memref<8x256xf32, #tpu.memory_space<hbm>>
            tpu.wait_dma2 semaphore(%run_scoped3A : memref<!tpu.dma_semaphore, #tpu.memory_space<semaphore_mem>>) src(%dma_wait3A_605 : memref<8x256xf32, #tpu.memory_space<hbm>>) dst(%arg11 : memref<8x256xf32, #tpu.memory_space<vmem>>)
            tpu.yield
          }) : () -> ()
          %add3A_597 = arith.addi %mul3A_221, %mul3A_590 : i32
          "tpu.region"() ({
            %run_scoped3A = tpu.sem_alloc : memref<!tpu.dma_semaphore, #tpu.memory_space<semaphore_mem>>
            %dma_start3A_598 = arith.constant 0 : i32
            %dma_start3A_599 = tpu.memref_slice %arg5[%add3A_597, %dma_start3A_598] : memref<16384x256xf32, #tpu.memory_space<hbm>> -> memref<8x256xf32, #tpu.memory_space<hbm>>
            %dma_start3A_600 = arith.constant 0 : i32
            %dma_start3A_601 = tpu.memref_slice %arg5[%add3A_597, %dma_start3A_600] : memref<16384x256xf32, #tpu.memory_space<hbm>> -> memref<8x256xf32, #tpu.memory_space<hbm>>
            tpu.enqueue_dma source(%arg11 : memref<8x256xf32, #tpu.memory_space<vmem>>) target(%dma_start3A_601 : memref<8x256xf32, #tpu.memory_space<hbm>>) target_semaphore(%run_scoped3A : memref<!tpu.dma_semaphore, #tpu.memory_space<semaphore_mem>>)
            %dma_wait3A_602 = arith.constant 0 : i32
            %dma_wait3A_603 = tpu.memref_slice %arg5[%add3A_597, %dma_wait3A_602] : memref<16384x256xf32, #tpu.memory_space<hbm>> -> memref<8x256xf32, #tpu.memory_space<hbm>>
            %dma_wait3A_604 = arith.constant 0 : i32
            %dma_wait3A_605 = tpu.memref_slice %arg5[%add3A_597, %dma_wait3A_604] : memref<16384x256xf32, #tpu.memory_space<hbm>> -> memref<8x256xf32, #tpu.memory_space<hbm>>
            tpu.wait_dma2 semaphore(%run_scoped3A : memref<!tpu.dma_semaphore, #tpu.memory_space<semaphore_mem>>) src(%arg11 : memref<8x256xf32, #tpu.memory_space<vmem>>) dst(%dma_wait3A_605 : memref<8x256xf32, #tpu.memory_space<hbm>>)
            tpu.yield
          }) : () -> ()
        } else {
        }
      }
      %scan3A_587 = arith.constant 16 : i32
    } else {
    }
    %convert_element_type3A_447 = arith.extui %and3A_399 : i1 to i32
    %cond3A_448 = arith.constant 0 : i32
    %cond3A_449 = arith.cmpi ne, %convert_element_type3A_447, %cond3A_448 : i32
    scf.if %cond3A_449 {
      %multiple_of3A = tpu.assume_multiple %sub3A_394, 8 : i32
      %dma_wait3A = arith.constant 0 : i32
      %dma_wait3A_483 = tpu.memref_slice %arg2[%multiple_of3A, %dma_wait3A] : memref<8192x256xf32, #tpu.memory_space<hbm>> -> memref<128x256xf32, #tpu.memory_space<hbm>>
      %dma_wait3A_484 = arith.constant 0 : i32
      %dma_wait3A_485 = tpu.memref_slice %arg2[%multiple_of3A, %dma_wait3A_484] : memref<8192x256xf32, #tpu.memory_space<hbm>> -> memref<128x256xf32, #tpu.memory_space<hbm>>
      tpu.wait_dma2 semaphore(%arg13 : memref<!tpu.dma_semaphore, #tpu.memory_space<semaphore_mem>>) src(%dma_wait3A_485 : memref<128x256xf32, #tpu.memory_space<hbm>>) dst(%arg7 : memref<128x256xf32, #tpu.memory_space<vmem>>)
      %dma_start3A = arith.constant 0 : i32
      %dma_start3A_486 = tpu.memref_slice %arg5[%mul3A_325, %dma_start3A] : memref<16384x256xf32, #tpu.memory_space<hbm>> -> memref<128x256xf32, #tpu.memory_space<hbm>>
      %dma_start3A_487 = arith.constant 0 : i32
      %dma_start3A_488 = tpu.memref_slice %arg5[%mul3A_325, %dma_start3A_487] : memref<16384x256xf32, #tpu.memory_space<hbm>> -> memref<128x256xf32, #tpu.memory_space<hbm>>
      tpu.enqueue_dma source(%arg7 : memref<128x256xf32, #tpu.memory_space<vmem>>) target(%dma_start3A_488 : memref<128x256xf32, #tpu.memory_space<hbm>>) target_semaphore(%arg16 : memref<!tpu.dma_semaphore, #tpu.memory_space<semaphore_mem>>)
    } else {
    }
    %convert_element_type3A_450 = arith.extui %eq3A_400 : i1 to i32
    %cond3A_451 = arith.constant 0 : i32
    %cond3A_452 = arith.cmpi ne, %convert_element_type3A_450, %cond3A_451 : i32
    scf.if %cond3A_452 {
      %add3A_483 = arith.constant 0 : i32
      %add3A_484 = arith.addi %mul3A_325, %add3A_483 : i32
      %add3A_485 = arith.constant 32 : i32
      %add3A_486 = arith.addi %mul3A_325, %add3A_485 : i32
      %add3A_487 = arith.constant 64 : i32
      %add3A_488 = arith.addi %mul3A_325, %add3A_487 : i32
      %add3A_489 = arith.constant 96 : i32
      %add3A_490 = arith.addi %mul3A_325, %add3A_489 : i32
      %dma_start3A = arith.constant 0 : i32
      %dma_start3A_491 = tpu.memref_slice %arg5[%add3A_484, %dma_start3A] : memref<16384x256xf32, #tpu.memory_space<hbm>> -> memref<32x256xf32, #tpu.memory_space<hbm>>
      %dma_start3A_492 = arith.constant 0 : i32
      %dma_start3A_493 = tpu.memref_slice %arg5[%add3A_484, %dma_start3A_492] : memref<16384x256xf32, #tpu.memory_space<hbm>> -> memref<32x256xf32, #tpu.memory_space<hbm>>
      tpu.enqueue_dma source(%arg10 : memref<32x256xf32, #tpu.memory_space<vmem>>) target(%dma_start3A_493 : memref<32x256xf32, #tpu.memory_space<hbm>>) target_semaphore(%arg19 : memref<!tpu.dma_semaphore, #tpu.memory_space<semaphore_mem>>)
      %dma_start3A_494 = arith.constant 0 : i32
      %dma_start3A_495 = tpu.memref_slice %arg5[%add3A_486, %dma_start3A_494] : memref<16384x256xf32, #tpu.memory_space<hbm>> -> memref<32x256xf32, #tpu.memory_space<hbm>>
      %dma_start3A_496 = arith.constant 0 : i32
      %dma_start3A_497 = tpu.memref_slice %arg5[%add3A_486, %dma_start3A_496] : memref<16384x256xf32, #tpu.memory_space<hbm>> -> memref<32x256xf32, #tpu.memory_space<hbm>>
      tpu.enqueue_dma source(%arg10 : memref<32x256xf32, #tpu.memory_space<vmem>>) target(%dma_start3A_497 : memref<32x256xf32, #tpu.memory_space<hbm>>) target_semaphore(%arg19 : memref<!tpu.dma_semaphore, #tpu.memory_space<semaphore_mem>>)
      %dma_start3A_498 = arith.constant 0 : i32
      %dma_start3A_499 = tpu.memref_slice %arg5[%add3A_488, %dma_start3A_498] : memref<16384x256xf32, #tpu.memory_space<hbm>> -> memref<32x256xf32, #tpu.memory_space<hbm>>
      %dma_start3A_500 = arith.constant 0 : i32
      %dma_start3A_501 = tpu.memref_slice %arg5[%add3A_488, %dma_start3A_500] : memref<16384x256xf32, #tpu.memory_space<hbm>> -> memref<32x256xf32, #tpu.memory_space<hbm>>
      tpu.enqueue_dma source(%arg10 : memref<32x256xf32, #tpu.memory_space<vmem>>) target(%dma_start3A_501 : memref<32x256xf32, #tpu.memory_space<hbm>>) target_semaphore(%arg19 : memref<!tpu.dma_semaphore, #tpu.memory_space<semaphore_mem>>)
      %dma_start3A_502 = arith.constant 0 : i32
      %dma_start3A_503 = tpu.memref_slice %arg5[%add3A_490, %dma_start3A_502] : memref<16384x256xf32, #tpu.memory_space<hbm>> -> memref<32x256xf32, #tpu.memory_space<hbm>>
      %dma_start3A_504 = arith.constant 0 : i32
      %dma_start3A_505 = tpu.memref_slice %arg5[%add3A_490, %dma_start3A_504] : memref<16384x256xf32, #tpu.memory_space<hbm>> -> memref<32x256xf32, #tpu.memory_space<hbm>>
      tpu.enqueue_dma source(%arg10 : memref<32x256xf32, #tpu.memory_space<vmem>>) target(%dma_start3A_505 : memref<32x256xf32, #tpu.memory_space<hbm>>) target_semaphore(%arg19 : memref<!tpu.dma_semaphore, #tpu.memory_space<semaphore_mem>>)
    } else {
    }
    %convert_element_type3A_453 = arith.extui %and3A_405 : i1 to i32
    %cond3A_454 = arith.constant 0 : i32
    %cond3A_455 = arith.cmpi ne, %convert_element_type3A_453, %cond3A_454 : i32
    scf.if %cond3A_455 {
      %add3A_483 = arith.constant 0 : i32
      %add3A_484 = arith.addi %mul3A_325, %add3A_483 : i32
      %add3A_485 = arith.constant 32 : i32
      %add3A_486 = arith.addi %mul3A_325, %add3A_485 : i32
      %add3A_487 = arith.constant 64 : i32
      %add3A_488 = arith.addi %mul3A_325, %add3A_487 : i32
      %add3A_489 = arith.constant 96 : i32
      %add3A_490 = arith.addi %mul3A_325, %add3A_489 : i32
      %dma_start3A = arith.constant 0 : i32
      %dma_start3A_491 = tpu.memref_slice %arg5[%add3A_484, %dma_start3A] : memref<16384x256xf32, #tpu.memory_space<hbm>> -> memref<32x256xf32, #tpu.memory_space<hbm>>
      %dma_start3A_492 = arith.constant 0 : i32
      %dma_start3A_493 = tpu.memref_slice %arg5[%add3A_484, %dma_start3A_492] : memref<16384x256xf32, #tpu.memory_space<hbm>> -> memref<32x256xf32, #tpu.memory_space<hbm>>
      tpu.enqueue_dma source(%arg10 : memref<32x256xf32, #tpu.memory_space<vmem>>) target(%dma_start3A_493 : memref<32x256xf32, #tpu.memory_space<hbm>>) target_semaphore(%arg19 : memref<!tpu.dma_semaphore, #tpu.memory_space<semaphore_mem>>)
      %dma_start3A_494 = arith.constant 0 : i32
      %dma_start3A_495 = tpu.memref_slice %arg5[%add3A_486, %dma_start3A_494] : memref<16384x256xf32, #tpu.memory_space<hbm>> -> memref<32x256xf32, #tpu.memory_space<hbm>>
      %dma_start3A_496 = arith.constant 0 : i32
      %dma_start3A_497 = tpu.memref_slice %arg5[%add3A_486, %dma_start3A_496] : memref<16384x256xf32, #tpu.memory_space<hbm>> -> memref<32x256xf32, #tpu.memory_space<hbm>>
      tpu.enqueue_dma source(%arg10 : memref<32x256xf32, #tpu.memory_space<vmem>>) target(%dma_start3A_497 : memref<32x256xf32, #tpu.memory_space<hbm>>) target_semaphore(%arg19 : memref<!tpu.dma_semaphore, #tpu.memory_space<semaphore_mem>>)
      %dma_start3A_498 = arith.constant 0 : i32
      %dma_start3A_499 = tpu.memref_slice %arg5[%add3A_488, %dma_start3A_498] : memref<16384x256xf32, #tpu.memory_space<hbm>> -> memref<32x256xf32, #tpu.memory_space<hbm>>
      %dma_start3A_500 = arith.constant 0 : i32
      %dma_start3A_501 = tpu.memref_slice %arg5[%add3A_488, %dma_start3A_500] : memref<16384x256xf32, #tpu.memory_space<hbm>> -> memref<32x256xf32, #tpu.memory_space<hbm>>
      tpu.enqueue_dma source(%arg10 : memref<32x256xf32, #tpu.memory_space<vmem>>) target(%dma_start3A_501 : memref<32x256xf32, #tpu.memory_space<hbm>>) target_semaphore(%arg19 : memref<!tpu.dma_semaphore, #tpu.memory_space<semaphore_mem>>)
      %dma_start3A_502 = arith.constant 0 : i32
      %dma_start3A_503 = tpu.memref_slice %arg5[%add3A_490, %dma_start3A_502] : memref<16384x256xf32, #tpu.memory_space<hbm>> -> memref<32x256xf32, #tpu.memory_space<hbm>>
      %dma_start3A_504 = arith.constant 0 : i32
      %dma_start3A_505 = tpu.memref_slice %arg5[%add3A_490, %dma_start3A_504] : memref<16384x256xf32, #tpu.memory_space<hbm>> -> memref<32x256xf32, #tpu.memory_space<hbm>>
      tpu.enqueue_dma source(%arg10 : memref<32x256xf32, #tpu.memory_space<vmem>>) target(%dma_start3A_505 : memref<32x256xf32, #tpu.memory_space<hbm>>) target_semaphore(%arg19 : memref<!tpu.dma_semaphore, #tpu.memory_space<semaphore_mem>>)
      %add3A_506 = arith.constant 0 : i32
      %add3A_507 = arith.addi %mul3A_325, %add3A_506 : i32
      %add3A_508 = arith.constant 32 : i32
      %add3A_509 = arith.addi %mul3A_325, %add3A_508 : i32
      %add3A_510 = arith.constant 64 : i32
      %add3A_511 = arith.addi %mul3A_325, %add3A_510 : i32
      %add3A_512 = arith.constant 96 : i32
      %add3A_513 = arith.addi %mul3A_325, %add3A_512 : i32
      %dma_wait3A = arith.constant 0 : i32
      %dma_wait3A_514 = tpu.memref_slice %arg5[%add3A_507, %dma_wait3A] : memref<16384x256xf32, #tpu.memory_space<hbm>> -> memref<32x256xf32, #tpu.memory_space<hbm>>
      %dma_wait3A_515 = arith.constant 0 : i32
      %dma_wait3A_516 = tpu.memref_slice %arg5[%add3A_507, %dma_wait3A_515] : memref<16384x256xf32, #tpu.memory_space<hbm>> -> memref<32x256xf32, #tpu.memory_space<hbm>>
      tpu.wait_dma2 semaphore(%arg19 : memref<!tpu.dma_semaphore, #tpu.memory_space<semaphore_mem>>) src(%arg10 : memref<32x256xf32, #tpu.memory_space<vmem>>) dst(%dma_wait3A_516 : memref<32x256xf32, #tpu.memory_space<hbm>>)
      %dma_wait3A_517 = arith.constant 0 : i32
      %dma_wait3A_518 = tpu.memref_slice %arg5[%add3A_509, %dma_wait3A_517] : memref<16384x256xf32, #tpu.memory_space<hbm>> -> memref<32x256xf32, #tpu.memory_space<hbm>>
      %dma_wait3A_519 = arith.constant 0 : i32
      %dma_wait3A_520 = tpu.memref_slice %arg5[%add3A_509, %dma_wait3A_519] : memref<16384x256xf32, #tpu.memory_space<hbm>> -> memref<32x256xf32, #tpu.memory_space<hbm>>
      tpu.wait_dma2 semaphore(%arg19 : memref<!tpu.dma_semaphore, #tpu.memory_space<semaphore_mem>>) src(%arg10 : memref<32x256xf32, #tpu.memory_space<vmem>>) dst(%dma_wait3A_520 : memref<32x256xf32, #tpu.memory_space<hbm>>)
      %dma_wait3A_521 = arith.constant 0 : i32
      %dma_wait3A_522 = tpu.memref_slice %arg5[%add3A_511, %dma_wait3A_521] : memref<16384x256xf32, #tpu.memory_space<hbm>> -> memref<32x256xf32, #tpu.memory_space<hbm>>
      %dma_wait3A_523 = arith.constant 0 : i32
      %dma_wait3A_524 = tpu.memref_slice %arg5[%add3A_511, %dma_wait3A_523] : memref<16384x256xf32, #tpu.memory_space<hbm>> -> memref<32x256xf32, #tpu.memory_space<hbm>>
      tpu.wait_dma2 semaphore(%arg19 : memref<!tpu.dma_semaphore, #tpu.memory_space<semaphore_mem>>) src(%arg10 : memref<32x256xf32, #tpu.memory_space<vmem>>) dst(%dma_wait3A_524 : memref<32x256xf32, #tpu.memory_space<hbm>>)
      %dma_wait3A_525 = arith.constant 0 : i32
      %dma_wait3A_526 = tpu.memref_slice %arg5[%add3A_513, %dma_wait3A_525] : memref<16384x256xf32, #tpu.memory_space<hbm>> -> memref<32x256xf32, #tpu.memory_space<hbm>>
      %dma_wait3A_527 = arith.constant 0 : i32
      %dma_wait3A_528 = tpu.memref_slice %arg5[%add3A_513, %dma_wait3A_527] : memref<16384x256xf32, #tpu.memory_space<hbm>> -> memref<32x256xf32, #tpu.memory_space<hbm>>
      tpu.wait_dma2 semaphore(%arg19 : memref<!tpu.dma_semaphore, #tpu.memory_space<semaphore_mem>>) src(%arg10 : memref<32x256xf32, #tpu.memory_space<vmem>>) dst(%dma_wait3A_528 : memref<32x256xf32, #tpu.memory_space<hbm>>)
      %add3A_529 = arith.constant 7 : i32
      %add3A_530 = arith.addi %min3A_385, %add3A_529 : i32
      %jit3A_531 = arith.constant 8 : i32
      %div3A_532 = arith.divsi %add3A_530, %jit3A_531 : i32
      %sign3A_533 = arith.constant 0 : i32
      %sign3A_534 = arith.cmpi sgt, %add3A_530, %sign3A_533 : i32
      %sign3A_535 = arith.extui %sign3A_534 : i1 to i32
      %sign3A_536 = arith.constant 0 : i32
      %sign3A_537 = arith.cmpi slt, %add3A_530, %sign3A_536 : i32
      %sign3A_538 = arith.extui %sign3A_537 : i1 to i32
      %sign3A_539 = arith.subi %sign3A_535, %sign3A_538 : i32
      %sign3A_540 = arith.constant 0 : i32
      %sign3A_541 = arith.cmpi sgt, %jit3A_531, %sign3A_540 : i32
      %sign3A_542 = arith.extui %sign3A_541 : i1 to i32
      %sign3A_543 = arith.constant 0 : i32
      %sign3A_544 = arith.cmpi slt, %jit3A_531, %sign3A_543 : i32
      %sign3A_545 = arith.extui %sign3A_544 : i1 to i32
      %sign3A_546 = arith.subi %sign3A_542, %sign3A_545 : i32
      %ne3A_547 = arith.cmpi ne, %sign3A_539, %sign3A_546 : i32
      %rem3A_548 = arith.remsi %add3A_530, %jit3A_531 : i32
      %ne3A_549 = arith.constant 0 : i32
      %ne3A_550 = arith.cmpi ne, %rem3A_548, %ne3A_549 : i32
      %and3A_551 = arith.andi %ne3A_547, %ne3A_550 : i1
      %sub3A_552 = arith.constant 1 : i32
      %sub3A_553 = arith.subi %div3A_532, %sub3A_552 : i32
      %select_n3A_554 = arith.select %and3A_551, %sub3A_553, %div3A_532 : i32
      %mul3A_555 = arith.constant 8 : i32
      %mul3A_556 = arith.muli %select_n3A_554, %mul3A_555 : i32
      %jit3A_557 = arith.constant 8 : i32
      %div3A_558 = arith.divsi %max3A_392, %jit3A_557 : i32
      %sign3A_559 = arith.constant 0 : i32
      %sign3A_560 = arith.cmpi sgt, %max3A_392, %sign3A_559 : i32
      %sign3A_561 = arith.extui %sign3A_560 : i1 to i32
      %sign3A_562 = arith.constant 0 : i32
      %sign3A_563 = arith.cmpi slt, %max3A_392, %sign3A_562 : i32
      %sign3A_564 = arith.extui %sign3A_563 : i1 to i32
      %sign3A_565 = arith.subi %sign3A_561, %sign3A_564 : i32
      %sign3A_566 = arith.constant 0 : i32
      %sign3A_567 = arith.cmpi sgt, %jit3A_557, %sign3A_566 : i32
      %sign3A_568 = arith.extui %sign3A_567 : i1 to i32
      %sign3A_569 = arith.constant 0 : i32
      %sign3A_570 = arith.cmpi slt, %jit3A_557, %sign3A_569 : i32
      %sign3A_571 = arith.extui %sign3A_570 : i1 to i32
      %sign3A_572 = arith.subi %sign3A_568, %sign3A_571 : i32
      %ne3A_573 = arith.cmpi ne, %sign3A_565, %sign3A_572 : i32
      %rem3A_574 = arith.remsi %max3A_392, %jit3A_557 : i32
      %ne3A_575 = arith.constant 0 : i32
      %ne3A_576 = arith.cmpi ne, %rem3A_574, %ne3A_575 : i32
      %and3A_577 = arith.andi %ne3A_573, %ne3A_576 : i1
      %sub3A_578 = arith.constant 1 : i32
      %sub3A_579 = arith.subi %div3A_558, %sub3A_578 : i32
      %select_n3A_580 = arith.select %and3A_577, %sub3A_579, %div3A_558 : i32
      %mul3A_581 = arith.constant 8 : i32
      %mul3A_582 = arith.muli %select_n3A_580, %mul3A_581 : i32
      %scan3A = arith.constant 0 : i32
      %scan3A_583 = arith.constant 0 : i32
      %scan3A_584 = arith.constant 16 : i32
      %scan3A_585 = arith.addi %scan3A_583, %scan3A_584 : i32
      %scan3A_586 = arith.constant 1 : i32
      scf.for %scan3A_588 = %scan3A_583 to %scan3A_585 step %scan3A_586  : i32 {
        %mul3A_589 = arith.constant 8 : i32
        %mul3A_590 = arith.muli %scan3A_588, %mul3A_589 : i32
        %ge3A = arith.cmpi sge, %mul3A_590, %mul3A_556 : i32
        %lt3A_591 = arith.cmpi slt, %mul3A_590, %mul3A_582 : i32
        %and3A_592 = arith.andi %ge3A, %lt3A_591 : i1
        %convert_element_type3A_593 = arith.extui %and3A_592 : i1 to i32
        %cond3A_594 = arith.constant 0 : i32
        %cond3A_595 = arith.cmpi ne, %convert_element_type3A_593, %cond3A_594 : i32
        scf.if %cond3A_595 {
          %add3A_596 = arith.addi %sub3A_394, %mul3A_590 : i32
          %multiple_of3A = tpu.assume_multiple %add3A_596, 8 : i32
          "tpu.region"() ({
            %run_scoped3A = tpu.sem_alloc : memref<!tpu.dma_semaphore, #tpu.memory_space<semaphore_mem>>
            %dma_start3A_598 = arith.constant 0 : i32
            %dma_start3A_599 = tpu.memref_slice %arg2[%multiple_of3A, %dma_start3A_598] : memref<8192x256xf32, #tpu.memory_space<hbm>> -> memref<8x256xf32, #tpu.memory_space<hbm>>
            %dma_start3A_600 = arith.constant 0 : i32
            %dma_start3A_601 = tpu.memref_slice %arg2[%multiple_of3A, %dma_start3A_600] : memref<8192x256xf32, #tpu.memory_space<hbm>> -> memref<8x256xf32, #tpu.memory_space<hbm>>
            tpu.enqueue_dma source(%dma_start3A_601 : memref<8x256xf32, #tpu.memory_space<hbm>>) target(%arg11 : memref<8x256xf32, #tpu.memory_space<vmem>>) target_semaphore(%run_scoped3A : memref<!tpu.dma_semaphore, #tpu.memory_space<semaphore_mem>>)
            %dma_wait3A_602 = arith.constant 0 : i32
            %dma_wait3A_603 = tpu.memref_slice %arg2[%multiple_of3A, %dma_wait3A_602] : memref<8192x256xf32, #tpu.memory_space<hbm>> -> memref<8x256xf32, #tpu.memory_space<hbm>>
            %dma_wait3A_604 = arith.constant 0 : i32
            %dma_wait3A_605 = tpu.memref_slice %arg2[%multiple_of3A, %dma_wait3A_604] : memref<8192x256xf32, #tpu.memory_space<hbm>> -> memref<8x256xf32, #tpu.memory_space<hbm>>
            tpu.wait_dma2 semaphore(%run_scoped3A : memref<!tpu.dma_semaphore, #tpu.memory_space<semaphore_mem>>) src(%dma_wait3A_605 : memref<8x256xf32, #tpu.memory_space<hbm>>) dst(%arg11 : memref<8x256xf32, #tpu.memory_space<vmem>>)
            tpu.yield
          }) : () -> ()
          %add3A_597 = arith.addi %mul3A_325, %mul3A_590 : i32
          "tpu.region"() ({
            %run_scoped3A = tpu.sem_alloc : memref<!tpu.dma_semaphore, #tpu.memory_space<semaphore_mem>>
            %dma_start3A_598 = arith.constant 0 : i32
            %dma_start3A_599 = tpu.memref_slice %arg5[%add3A_597, %dma_start3A_598] : memref<16384x256xf32, #tpu.memory_space<hbm>> -> memref<8x256xf32, #tpu.memory_space<hbm>>
            %dma_start3A_600 = arith.constant 0 : i32
            %dma_start3A_601 = tpu.memref_slice %arg5[%add3A_597, %dma_start3A_600] : memref<16384x256xf32, #tpu.memory_space<hbm>> -> memref<8x256xf32, #tpu.memory_space<hbm>>
            tpu.enqueue_dma source(%arg11 : memref<8x256xf32, #tpu.memory_space<vmem>>) target(%dma_start3A_601 : memref<8x256xf32, #tpu.memory_space<hbm>>) target_semaphore(%run_scoped3A : memref<!tpu.dma_semaphore, #tpu.memory_space<semaphore_mem>>)
            %dma_wait3A_602 = arith.constant 0 : i32
            %dma_wait3A_603 = tpu.memref_slice %arg5[%add3A_597, %dma_wait3A_602] : memref<16384x256xf32, #tpu.memory_space<hbm>> -> memref<8x256xf32, #tpu.memory_space<hbm>>
            %dma_wait3A_604 = arith.constant 0 : i32
            %dma_wait3A_605 = tpu.memref_slice %arg5[%add3A_597, %dma_wait3A_604] : memref<16384x256xf32, #tpu.memory_space<hbm>> -> memref<8x256xf32, #tpu.memory_space<hbm>>
            tpu.wait_dma2 semaphore(%run_scoped3A : memref<!tpu.dma_semaphore, #tpu.memory_space<semaphore_mem>>) src(%arg11 : memref<8x256xf32, #tpu.memory_space<vmem>>) dst(%dma_wait3A_605 : memref<8x256xf32, #tpu.memory_space<hbm>>)
            tpu.yield
          }) : () -> ()
        } else {
        }
      }
      %scan3A_587 = arith.constant 16 : i32
    } else {
    }
    %not3A_456 = arith.constant true
    %not3A_457 = arith.xori %and3A_399, %not3A_456 : i1
    %and3A_458 = arith.andi %and3A_88, %not3A_457 : i1
    %convert_element_type3A_459 = arith.extui %and3A_458 : i1 to i32
    %cond3A_460 = arith.constant 0 : i32
    %cond3A_461 = arith.cmpi ne, %convert_element_type3A_459, %cond3A_460 : i32
    scf.if %cond3A_461 {
      %dma_wait3A = arith.constant 0 : i32
      %dma_wait3A_483 = tpu.memref_slice %arg5[%mul3A_18, %dma_wait3A] : memref<16384x256xf32, #tpu.memory_space<hbm>> -> memref<128x256xf32, #tpu.memory_space<hbm>>
      %dma_wait3A_484 = arith.constant 0 : i32
      %dma_wait3A_485 = tpu.memref_slice %arg5[%mul3A_18, %dma_wait3A_484] : memref<16384x256xf32, #tpu.memory_space<hbm>> -> memref<128x256xf32, #tpu.memory_space<hbm>>
      tpu.wait_dma2 semaphore(%arg16 : memref<!tpu.dma_semaphore, #tpu.memory_space<semaphore_mem>>) src(%arg7 : memref<128x256xf32, #tpu.memory_space<vmem>>) dst(%dma_wait3A_485 : memref<128x256xf32, #tpu.memory_space<hbm>>)
    } else {
    }
    %convert_element_type3A_462 = arith.extui %eq3A_89 : i1 to i32
    %cond3A_463 = arith.constant 0 : i32
    %cond3A_464 = arith.cmpi ne, %convert_element_type3A_462, %cond3A_463 : i32
    scf.if %cond3A_464 {
      %add3A_483 = arith.constant 0 : i32
      %add3A_484 = arith.addi %mul3A_18, %add3A_483 : i32
      %add3A_485 = arith.constant 32 : i32
      %add3A_486 = arith.addi %mul3A_18, %add3A_485 : i32
      %add3A_487 = arith.constant 64 : i32
      %add3A_488 = arith.addi %mul3A_18, %add3A_487 : i32
      %add3A_489 = arith.constant 96 : i32
      %add3A_490 = arith.addi %mul3A_18, %add3A_489 : i32
      %dma_wait3A = arith.constant 0 : i32
      %dma_wait3A_491 = tpu.memref_slice %arg5[%add3A_484, %dma_wait3A] : memref<16384x256xf32, #tpu.memory_space<hbm>> -> memref<32x256xf32, #tpu.memory_space<hbm>>
      %dma_wait3A_492 = arith.constant 0 : i32
      %dma_wait3A_493 = tpu.memref_slice %arg5[%add3A_484, %dma_wait3A_492] : memref<16384x256xf32, #tpu.memory_space<hbm>> -> memref<32x256xf32, #tpu.memory_space<hbm>>
      tpu.wait_dma2 semaphore(%arg19 : memref<!tpu.dma_semaphore, #tpu.memory_space<semaphore_mem>>) src(%arg10 : memref<32x256xf32, #tpu.memory_space<vmem>>) dst(%dma_wait3A_493 : memref<32x256xf32, #tpu.memory_space<hbm>>)
      %dma_wait3A_494 = arith.constant 0 : i32
      %dma_wait3A_495 = tpu.memref_slice %arg5[%add3A_486, %dma_wait3A_494] : memref<16384x256xf32, #tpu.memory_space<hbm>> -> memref<32x256xf32, #tpu.memory_space<hbm>>
      %dma_wait3A_496 = arith.constant 0 : i32
      %dma_wait3A_497 = tpu.memref_slice %arg5[%add3A_486, %dma_wait3A_496] : memref<16384x256xf32, #tpu.memory_space<hbm>> -> memref<32x256xf32, #tpu.memory_space<hbm>>
      tpu.wait_dma2 semaphore(%arg19 : memref<!tpu.dma_semaphore, #tpu.memory_space<semaphore_mem>>) src(%arg10 : memref<32x256xf32, #tpu.memory_space<vmem>>) dst(%dma_wait3A_497 : memref<32x256xf32, #tpu.memory_space<hbm>>)
      %dma_wait3A_498 = arith.constant 0 : i32
      %dma_wait3A_499 = tpu.memref_slice %arg5[%add3A_488, %dma_wait3A_498] : memref<16384x256xf32, #tpu.memory_space<hbm>> -> memref<32x256xf32, #tpu.memory_space<hbm>>
      %dma_wait3A_500 = arith.constant 0 : i32
      %dma_wait3A_501 = tpu.memref_slice %arg5[%add3A_488, %dma_wait3A_500] : memref<16384x256xf32, #tpu.memory_space<hbm>> -> memref<32x256xf32, #tpu.memory_space<hbm>>
      tpu.wait_dma2 semaphore(%arg19 : memref<!tpu.dma_semaphore, #tpu.memory_space<semaphore_mem>>) src(%arg10 : memref<32x256xf32, #tpu.memory_space<vmem>>) dst(%dma_wait3A_501 : memref<32x256xf32, #tpu.memory_space<hbm>>)
      %dma_wait3A_502 = arith.constant 0 : i32
      %dma_wait3A_503 = tpu.memref_slice %arg5[%add3A_490, %dma_wait3A_502] : memref<16384x256xf32, #tpu.memory_space<hbm>> -> memref<32x256xf32, #tpu.memory_space<hbm>>
      %dma_wait3A_504 = arith.constant 0 : i32
      %dma_wait3A_505 = tpu.memref_slice %arg5[%add3A_490, %dma_wait3A_504] : memref<16384x256xf32, #tpu.memory_space<hbm>> -> memref<32x256xf32, #tpu.memory_space<hbm>>
      tpu.wait_dma2 semaphore(%arg19 : memref<!tpu.dma_semaphore, #tpu.memory_space<semaphore_mem>>) src(%arg10 : memref<32x256xf32, #tpu.memory_space<vmem>>) dst(%dma_wait3A_505 : memref<32x256xf32, #tpu.memory_space<hbm>>)
    } else {
    }
    %convert_element_type3A_465 = arith.extui %and3A_191 : i1 to i32
    %cond3A_466 = arith.constant 0 : i32
    %cond3A_467 = arith.cmpi ne, %convert_element_type3A_465, %cond3A_466 : i32
    scf.if %cond3A_467 {
      %dma_wait3A = arith.constant 0 : i32
      %dma_wait3A_483 = tpu.memref_slice %arg5[%mul3A_117, %dma_wait3A] : memref<16384x256xf32, #tpu.memory_space<hbm>> -> memref<128x256xf32, #tpu.memory_space<hbm>>
      %dma_wait3A_484 = arith.constant 0 : i32
      %dma_wait3A_485 = tpu.memref_slice %arg5[%mul3A_117, %dma_wait3A_484] : memref<16384x256xf32, #tpu.memory_space<hbm>> -> memref<128x256xf32, #tpu.memory_space<hbm>>
      tpu.wait_dma2 semaphore(%arg17 : memref<!tpu.dma_semaphore, #tpu.memory_space<semaphore_mem>>) src(%arg8 : memref<128x256xf32, #tpu.memory_space<vmem>>) dst(%dma_wait3A_485 : memref<128x256xf32, #tpu.memory_space<hbm>>)
    } else {
    }
    %convert_element_type3A_468 = arith.extui %eq3A_192 : i1 to i32
    %cond3A_469 = arith.constant 0 : i32
    %cond3A_470 = arith.cmpi ne, %convert_element_type3A_468, %cond3A_469 : i32
    scf.if %cond3A_470 {
      %add3A_483 = arith.constant 0 : i32
      %add3A_484 = arith.addi %mul3A_117, %add3A_483 : i32
      %add3A_485 = arith.constant 32 : i32
      %add3A_486 = arith.addi %mul3A_117, %add3A_485 : i32
      %add3A_487 = arith.constant 64 : i32
      %add3A_488 = arith.addi %mul3A_117, %add3A_487 : i32
      %add3A_489 = arith.constant 96 : i32
      %add3A_490 = arith.addi %mul3A_117, %add3A_489 : i32
      %dma_wait3A = arith.constant 0 : i32
      %dma_wait3A_491 = tpu.memref_slice %arg5[%add3A_484, %dma_wait3A] : memref<16384x256xf32, #tpu.memory_space<hbm>> -> memref<32x256xf32, #tpu.memory_space<hbm>>
      %dma_wait3A_492 = arith.constant 0 : i32
      %dma_wait3A_493 = tpu.memref_slice %arg5[%add3A_484, %dma_wait3A_492] : memref<16384x256xf32, #tpu.memory_space<hbm>> -> memref<32x256xf32, #tpu.memory_space<hbm>>
      tpu.wait_dma2 semaphore(%arg19 : memref<!tpu.dma_semaphore, #tpu.memory_space<semaphore_mem>>) src(%arg10 : memref<32x256xf32, #tpu.memory_space<vmem>>) dst(%dma_wait3A_493 : memref<32x256xf32, #tpu.memory_space<hbm>>)
      %dma_wait3A_494 = arith.constant 0 : i32
      %dma_wait3A_495 = tpu.memref_slice %arg5[%add3A_486, %dma_wait3A_494] : memref<16384x256xf32, #tpu.memory_space<hbm>> -> memref<32x256xf32, #tpu.memory_space<hbm>>
      %dma_wait3A_496 = arith.constant 0 : i32
      %dma_wait3A_497 = tpu.memref_slice %arg5[%add3A_486, %dma_wait3A_496] : memref<16384x256xf32, #tpu.memory_space<hbm>> -> memref<32x256xf32, #tpu.memory_space<hbm>>
      tpu.wait_dma2 semaphore(%arg19 : memref<!tpu.dma_semaphore, #tpu.memory_space<semaphore_mem>>) src(%arg10 : memref<32x256xf32, #tpu.memory_space<vmem>>) dst(%dma_wait3A_497 : memref<32x256xf32, #tpu.memory_space<hbm>>)
      %dma_wait3A_498 = arith.constant 0 : i32
      %dma_wait3A_499 = tpu.memref_slice %arg5[%add3A_488, %dma_wait3A_498] : memref<16384x256xf32, #tpu.memory_space<hbm>> -> memref<32x256xf32, #tpu.memory_space<hbm>>
      %dma_wait3A_500 = arith.constant 0 : i32
      %dma_wait3A_501 = tpu.memref_slice %arg5[%add3A_488, %dma_wait3A_500] : memref<16384x256xf32, #tpu.memory_space<hbm>> -> memref<32x256xf32, #tpu.memory_space<hbm>>
      tpu.wait_dma2 semaphore(%arg19 : memref<!tpu.dma_semaphore, #tpu.memory_space<semaphore_mem>>) src(%arg10 : memref<32x256xf32, #tpu.memory_space<vmem>>) dst(%dma_wait3A_501 : memref<32x256xf32, #tpu.memory_space<hbm>>)
      %dma_wait3A_502 = arith.constant 0 : i32
      %dma_wait3A_503 = tpu.memref_slice %arg5[%add3A_490, %dma_wait3A_502] : memref<16384x256xf32, #tpu.memory_space<hbm>> -> memref<32x256xf32, #tpu.memory_space<hbm>>
      %dma_wait3A_504 = arith.constant 0 : i32
      %dma_wait3A_505 = tpu.memref_slice %arg5[%add3A_490, %dma_wait3A_504] : memref<16384x256xf32, #tpu.memory_space<hbm>> -> memref<32x256xf32, #tpu.memory_space<hbm>>
      tpu.wait_dma2 semaphore(%arg19 : memref<!tpu.dma_semaphore, #tpu.memory_space<semaphore_mem>>) src(%arg10 : memref<32x256xf32, #tpu.memory_space<vmem>>) dst(%dma_wait3A_505 : memref<32x256xf32, #tpu.memory_space<hbm>>)
    } else {
    }
    %convert_element_type3A_471 = arith.extui %and3A_295 : i1 to i32
    %cond3A_472 = arith.constant 0 : i32
    %cond3A_473 = arith.cmpi ne, %convert_element_type3A_471, %cond3A_472 : i32
    scf.if %cond3A_473 {
      %dma_wait3A = arith.constant 0 : i32
      %dma_wait3A_483 = tpu.memref_slice %arg5[%mul3A_221, %dma_wait3A] : memref<16384x256xf32, #tpu.memory_space<hbm>> -> memref<128x256xf32, #tpu.memory_space<hbm>>
      %dma_wait3A_484 = arith.constant 0 : i32
      %dma_wait3A_485 = tpu.memref_slice %arg5[%mul3A_221, %dma_wait3A_484] : memref<16384x256xf32, #tpu.memory_space<hbm>> -> memref<128x256xf32, #tpu.memory_space<hbm>>
      tpu.wait_dma2 semaphore(%arg18 : memref<!tpu.dma_semaphore, #tpu.memory_space<semaphore_mem>>) src(%arg9 : memref<128x256xf32, #tpu.memory_space<vmem>>) dst(%dma_wait3A_485 : memref<128x256xf32, #tpu.memory_space<hbm>>)
    } else {
    }
    %convert_element_type3A_474 = arith.extui %eq3A_296 : i1 to i32
    %cond3A_475 = arith.constant 0 : i32
    %cond3A_476 = arith.cmpi ne, %convert_element_type3A_474, %cond3A_475 : i32
    scf.if %cond3A_476 {
      %add3A_483 = arith.constant 0 : i32
      %add3A_484 = arith.addi %mul3A_221, %add3A_483 : i32
      %add3A_485 = arith.constant 32 : i32
      %add3A_486 = arith.addi %mul3A_221, %add3A_485 : i32
      %add3A_487 = arith.constant 64 : i32
      %add3A_488 = arith.addi %mul3A_221, %add3A_487 : i32
      %add3A_489 = arith.constant 96 : i32
      %add3A_490 = arith.addi %mul3A_221, %add3A_489 : i32
      %dma_wait3A = arith.constant 0 : i32
      %dma_wait3A_491 = tpu.memref_slice %arg5[%add3A_484, %dma_wait3A] : memref<16384x256xf32, #tpu.memory_space<hbm>> -> memref<32x256xf32, #tpu.memory_space<hbm>>
      %dma_wait3A_492 = arith.constant 0 : i32
      %dma_wait3A_493 = tpu.memref_slice %arg5[%add3A_484, %dma_wait3A_492] : memref<16384x256xf32, #tpu.memory_space<hbm>> -> memref<32x256xf32, #tpu.memory_space<hbm>>
      tpu.wait_dma2 semaphore(%arg19 : memref<!tpu.dma_semaphore, #tpu.memory_space<semaphore_mem>>) src(%arg10 : memref<32x256xf32, #tpu.memory_space<vmem>>) dst(%dma_wait3A_493 : memref<32x256xf32, #tpu.memory_space<hbm>>)
      %dma_wait3A_494 = arith.constant 0 : i32
      %dma_wait3A_495 = tpu.memref_slice %arg5[%add3A_486, %dma_wait3A_494] : memref<16384x256xf32, #tpu.memory_space<hbm>> -> memref<32x256xf32, #tpu.memory_space<hbm>>
      %dma_wait3A_496 = arith.constant 0 : i32
      %dma_wait3A_497 = tpu.memref_slice %arg5[%add3A_486, %dma_wait3A_496] : memref<16384x256xf32, #tpu.memory_space<hbm>> -> memref<32x256xf32, #tpu.memory_space<hbm>>
      tpu.wait_dma2 semaphore(%arg19 : memref<!tpu.dma_semaphore, #tpu.memory_space<semaphore_mem>>) src(%arg10 : memref<32x256xf32, #tpu.memory_space<vmem>>) dst(%dma_wait3A_497 : memref<32x256xf32, #tpu.memory_space<hbm>>)
      %dma_wait3A_498 = arith.constant 0 : i32
      %dma_wait3A_499 = tpu.memref_slice %arg5[%add3A_488, %dma_wait3A_498] : memref<16384x256xf32, #tpu.memory_space<hbm>> -> memref<32x256xf32, #tpu.memory_space<hbm>>
      %dma_wait3A_500 = arith.constant 0 : i32
      %dma_wait3A_501 = tpu.memref_slice %arg5[%add3A_488, %dma_wait3A_500] : memref<16384x256xf32, #tpu.memory_space<hbm>> -> memref<32x256xf32, #tpu.memory_space<hbm>>
      tpu.wait_dma2 semaphore(%arg19 : memref<!tpu.dma_semaphore, #tpu.memory_space<semaphore_mem>>) src(%arg10 : memref<32x256xf32, #tpu.memory_space<vmem>>) dst(%dma_wait3A_501 : memref<32x256xf32, #tpu.memory_space<hbm>>)
      %dma_wait3A_502 = arith.constant 0 : i32
      %dma_wait3A_503 = tpu.memref_slice %arg5[%add3A_490, %dma_wait3A_502] : memref<16384x256xf32, #tpu.memory_space<hbm>> -> memref<32x256xf32, #tpu.memory_space<hbm>>
      %dma_wait3A_504 = arith.constant 0 : i32
      %dma_wait3A_505 = tpu.memref_slice %arg5[%add3A_490, %dma_wait3A_504] : memref<16384x256xf32, #tpu.memory_space<hbm>> -> memref<32x256xf32, #tpu.memory_space<hbm>>
      tpu.wait_dma2 semaphore(%arg19 : memref<!tpu.dma_semaphore, #tpu.memory_space<semaphore_mem>>) src(%arg10 : memref<32x256xf32, #tpu.memory_space<vmem>>) dst(%dma_wait3A_505 : memref<32x256xf32, #tpu.memory_space<hbm>>)
    } else {
    }
    %convert_element_type3A_477 = arith.extui %and3A_399 : i1 to i32
    %cond3A_478 = arith.constant 0 : i32
    %cond3A_479 = arith.cmpi ne, %convert_element_type3A_477, %cond3A_478 : i32
    scf.if %cond3A_479 {
      %dma_wait3A = arith.constant 0 : i32
      %dma_wait3A_483 = tpu.memref_slice %arg5[%mul3A_325, %dma_wait3A] : memref<16384x256xf32, #tpu.memory_space<hbm>> -> memref<128x256xf32, #tpu.memory_space<hbm>>
      %dma_wait3A_484 = arith.constant 0 : i32
      %dma_wait3A_485 = tpu.memref_slice %arg5[%mul3A_325, %dma_wait3A_484] : memref<16384x256xf32, #tpu.memory_space<hbm>> -> memref<128x256xf32, #tpu.memory_space<hbm>>
      tpu.wait_dma2 semaphore(%arg16 : memref<!tpu.dma_semaphore, #tpu.memory_space<semaphore_mem>>) src(%arg7 : memref<128x256xf32, #tpu.memory_space<vmem>>) dst(%dma_wait3A_485 : memref<128x256xf32, #tpu.memory_space<hbm>>)
    } else {
    }
    %convert_element_type3A_480 = arith.extui %eq3A_400 : i1 to i32
    %cond3A_481 = arith.constant 0 : i32
    %cond3A_482 = arith.cmpi ne, %convert_element_type3A_480, %cond3A_481 : i32
    scf.if %cond3A_482 {
      %add3A_483 = arith.constant 0 : i32
      %add3A_484 = arith.addi %mul3A_325, %add3A_483 : i32
      %add3A_485 = arith.constant 32 : i32
      %add3A_486 = arith.addi %mul3A_325, %add3A_485 : i32
      %add3A_487 = arith.constant 64 : i32
      %add3A_488 = arith.addi %mul3A_325, %add3A_487 : i32
      %add3A_489 = arith.constant 96 : i32
      %add3A_490 = arith.addi %mul3A_325, %add3A_489 : i32
      %dma_wait3A = arith.constant 0 : i32
      %dma_wait3A_491 = tpu.memref_slice %arg5[%add3A_484, %dma_wait3A] : memref<16384x256xf32, #tpu.memory_space<hbm>> -> memref<32x256xf32, #tpu.memory_space<hbm>>
      %dma_wait3A_492 = arith.constant 0 : i32
      %dma_wait3A_493 = tpu.memref_slice %arg5[%add3A_484, %dma_wait3A_492] : memref<16384x256xf32, #tpu.memory_space<hbm>> -> memref<32x256xf32, #tpu.memory_space<hbm>>
      tpu.wait_dma2 semaphore(%arg19 : memref<!tpu.dma_semaphore, #tpu.memory_space<semaphore_mem>>) src(%arg10 : memref<32x256xf32, #tpu.memory_space<vmem>>) dst(%dma_wait3A_493 : memref<32x256xf32, #tpu.memory_space<hbm>>)
      %dma_wait3A_494 = arith.constant 0 : i32
      %dma_wait3A_495 = tpu.memref_slice %arg5[%add3A_486, %dma_wait3A_494] : memref<16384x256xf32, #tpu.memory_space<hbm>> -> memref<32x256xf32, #tpu.memory_space<hbm>>
      %dma_wait3A_496 = arith.constant 0 : i32
      %dma_wait3A_497 = tpu.memref_slice %arg5[%add3A_486, %dma_wait3A_496] : memref<16384x256xf32, #tpu.memory_space<hbm>> -> memref<32x256xf32, #tpu.memory_space<hbm>>
      tpu.wait_dma2 semaphore(%arg19 : memref<!tpu.dma_semaphore, #tpu.memory_space<semaphore_mem>>) src(%arg10 : memref<32x256xf32, #tpu.memory_space<vmem>>) dst(%dma_wait3A_497 : memref<32x256xf32, #tpu.memory_space<hbm>>)
      %dma_wait3A_498 = arith.constant 0 : i32
      %dma_wait3A_499 = tpu.memref_slice %arg5[%add3A_488, %dma_wait3A_498] : memref<16384x256xf32, #tpu.memory_space<hbm>> -> memref<32x256xf32, #tpu.memory_space<hbm>>
      %dma_wait3A_500 = arith.constant 0 : i32
      %dma_wait3A_501 = tpu.memref_slice %arg5[%add3A_488, %dma_wait3A_500] : memref<16384x256xf32, #tpu.memory_space<hbm>> -> memref<32x256xf32, #tpu.memory_space<hbm>>
      tpu.wait_dma2 semaphore(%arg19 : memref<!tpu.dma_semaphore, #tpu.memory_space<semaphore_mem>>) src(%arg10 : memref<32x256xf32, #tpu.memory_space<vmem>>) dst(%dma_wait3A_501 : memref<32x256xf32, #tpu.memory_space<hbm>>)
      %dma_wait3A_502 = arith.constant 0 : i32
      %dma_wait3A_503 = tpu.memref_slice %arg5[%add3A_490, %dma_wait3A_502] : memref<16384x256xf32, #tpu.memory_space<hbm>> -> memref<32x256xf32, #tpu.memory_space<hbm>>
      %dma_wait3A_504 = arith.constant 0 : i32
      %dma_wait3A_505 = tpu.memref_slice %arg5[%add3A_490, %dma_wait3A_504] : memref<16384x256xf32, #tpu.memory_space<hbm>> -> memref<32x256xf32, #tpu.memory_space<hbm>>
      tpu.wait_dma2 semaphore(%arg19 : memref<!tpu.dma_semaphore, #tpu.memory_space<semaphore_mem>>) src(%arg10 : memref<32x256xf32, #tpu.memory_space<vmem>>) dst(%dma_wait3A_505 : memref<32x256xf32, #tpu.memory_space<hbm>>)
    } else {
    }
    return
  }
}

</mosaic_0001>

<sc_bundles>
// kernel: kernel.3.cloned.1.call-start
scs
__scs_entry_jumppad:
0x0: {  	(pc) =	sbr.rel $0x88, $3  }
0x1: {  	(tag) =	ssettag $0x0;
	lr =	simm.s32 $0x1  }
0x2: {  	[smem:$0x3F9E] =	sst lr;
	_ =	strace $0xD0000000  }
0x3: {  	_ = 	snop  }
0x4: {  	_ = 	snop  }
0x5: {  	_ = 	snop  }
0x6: {  	_ = 	snop  }
0x7: {  	_ = 	snop  }
__scs_overlays_trampoline_lowered:
0x8: {  	[smem:$0x3FAD] =	sst s0  }
0x9: {  	[smem:$0x3FAE] =	sst s1  }
0xa: {  	[smem:$0x3FAF] =	sst s2  }
0xb: {  	[smem:$0x3FB0] =	sst s3  }
0xc: {  	[smem:$0x3FB1] =	sst s4  }
0xd: {  	[smem:$0x3FB2] =	sst s5  }
0xe: {  	[smem:$0x3FB3] =	sst s6  }
0xf: {  	[smem:$0x3FB4] =	sst s7  }
0x10: {  	[smem:$0x3FB5] =	sst s8  }
0x11: {  	[smem:$0x3FB6] =	sst s9;
	s0 =	simm.s32 @!p0 $0x0  }
0x12: {  	s1 =	sld [smem:$0x3F9C];
	s0 =	simm.s32 @p0 $0x1  }
0x13: {  	[smem:$0x3FB7] =	sst s0;
	s0 =	simm.s32 @!p1 $0x0  }
0x14: {  	s2 =	sld [smem:$0x3F9B];
	s0 =	simm.s32 @p1 $0x1  }
0x15: {  	[smem:$0x3FB8] =	sst s0;
	s0 =	simm.s32 @!p2 $0x0  }
0x16: {  	s3 =	sld [smem:$0x3FDB];
	s0 =	simm.s32 @p2 $0x1  }
0x17: {  	s4 =	simm.s32 $0x1BF5;
	[smem:$0x3FBA] =	sst s0  }
0x18: {  	s0 =	sld [smem:$0x3F9D];
	_ =	swait.ge [sflag:s4], $0x0  }
0x19: {  	s7 =	sld [smem:$0x3F9E]  }
0x1a: {  	s8 =	sadd.s32 $0xFFFFE003, lr  }
0x1b: {  	s9 =	sadd.s32 $0xFFFFFEF7, lr;
	s5 =	simm.s32 $0xFFFFFFFF;
	p2 =	slt.u32 s8, $0xFFFFF086  }
0x1c: {  	p1 =	slt.u32 s9, $0xF7A;
	s5 =	simm.s32 @!p2 $0x0  }
0x1d: {  	s5 =	simm.s32 @p1 $0x1;
	p0 =	seq.s32 s7, s2  }
0x1e: {  	s7 =	smul.u32 @!p0 $0xF7A, s2;
	p2 =	seq.s32 @!p0 s5, $0x0  }
0x1f: {  	s9 =	smul.u32 $0xF7A, s1;
	s8 =	simm.s32 @!p0 $0x1BF5;
	p2 =	por !p2, p0  }
0x20: {  	[sflag:s8] =	ssyncset.s32 @!p0 $0xFFFFF086;
	s6 =	sadd.s32 @!p0 s3, s7;
	s7 =	simm.s32 @!p0 $0x108  }
0x21: {  	s3 =	sadd.s32 s3, s9;
	s6 =	sadd.s32 @!p0 $0x88, s6;
	s7 =	simm.s32 @p2 $0x1082  }
0x22: {  	[simem:s7], [sflag:s8] =	dma.local @!p0 [hbm:s6], $0xF7A  }
0x23: {  	s9 =	sor.u32 $0xD0000000, s2;
	s6 =	simm.s32 $0x108;
	_ =	swait.ge @!p0 [sflag:s8], $0x0  }
0x24: {  	s3 =	sadd.s32 $0x88, s3;
	s6 =	simm.s32 @!p1 $0x1082;
	[sflag:s4] =	ssyncset.s32 $0xFFFFF086  }
0x25: {  	[simem:s6], [sflag:s4] =	dma.local [hbm:s3], $0xF7A  }
0x26: {  	[smem:$0x3F9E] =	sst s1;
	(tag) =	ssettag s2;
	_ =	strace s9  }
0x27: {  	s1 =	sld [smem:$0x3FAE]  }
0x28: {  	s2 =	sld [smem:$0x3FAF]  }
0x29: {  	s4 =	sld [smem:$0x3FB1]  }
0x2a: {  	p0 =	seq.s32 s5, $0x0;
	s5 =	sld [smem:$0x3FB2]  }
0x2b: {  	s6 =	sld [smem:$0x3FB3]  }
0x2c: {  	s7 =	sld [smem:$0x3FB4]  }
0x2d: {  	s3 =	simm.s32 $0x108;
	s8 =	sld [smem:$0x3FB5]  }
0x2e: {  	s3 =	simm.s32 @!p0 $0x1082;
	s9 =	sld [smem:$0x3FB6]  }
0x2f: {  	lr =	sadd.s32 s0, s3;
	s0 =	sld [smem:$0x3FAD]  }
0x30: {  	s3 =	sld [smem:$0x3FB0]  }
0x31: {  	[smem:$0x3FB9] =	sst s10  }
0x32: {  	s10 =	sld [smem:$0x3FB7];
	_ =	sdelay $0x3  }
0x33: {  	p0 =	seq.s32 s10, $0x1;
	s10 =	sld [smem:$0x3FB9];
	_ =	sdelay $0x3  }
0x34: {  	[smem:$0x3FB9] =	sst s10  }
0x35: {  	s10 =	sld [smem:$0x3FB8];
	_ =	sdelay $0x3  }
0x36: {  	p1 =	seq.s32 s10, $0x1;
	s10 =	sld [smem:$0x3FB9];
	_ =	sdelay $0x3  }
0x37: {  	[smem:$0x3FB9] =	sst s10  }
0x38: {  	s10 =	sld [smem:$0x3FBA]  }
0x39: {  	_ = 	snop;
	(pc) =	sbr.ind lr, $3  }
0x3a: {  	_ = 	snop  }
0x3b: {  	_ = 	snop  }
0x3c: {  	p2 =	seq.s32 s10, $0x1;
	s10 =	sld [smem:$0x3FB9]  }
0x3d: {  	_ =	shalt  }
0x3e: {  	_ =	shalt  }
0x3f: {  	_ =	shalt  }
0x40: {  	_ =	shalt  }
0x41: {  	_ =	shalt  }
0x42: {  	_ =	shalt  }
0x43: {  	_ =	shalt  }
0x44: {  	_ =	shalt  }
0x45: {  	_ =	shalt  }
0x46: {  	_ =	shalt  }
0x47: {  	_ =	shalt  }
0x48: {  	_ =	shalt  }
0x49: {  	_ =	shalt  }
0x4a: {  	_ =	shalt  }
0x4b: {  	_ =	shalt  }
0x4c: {  	_ =	shalt  }
0x4d: {  	_ =	shalt  }
0x4e: {  	_ =	shalt  }
0x4f: {  	_ =	shalt  }
0x50: {  	_ =	shalt  }
0x51: {  	_ =	shalt  }
0x52: {  	_ =	shalt  }
0x53: {  	_ =	shalt  }
0x54: {  	_ =	shalt  }
0x55: {  	_ =	shalt  }
0x56: {  	_ =	shalt  }
0x57: {  	_ =	shalt  }
0x58: {  	_ =	shalt  }
0x59: {  	_ =	shalt  }
0x5a: {  	_ =	shalt  }
0x5b: {  	_ =	shalt  }
0x5c: {  	_ =	shalt  }
0x5d: {  	_ =	shalt  }
0x5e: {  	_ =	shalt  }
0x5f: {  	_ =	shalt  }
0x60: {  	_ =	shalt  }
0x61: {  	_ =	shalt  }
0x62: {  	_ =	shalt  }
0x63: {  	_ =	shalt  }
0x64: {  	_ =	shalt  }
0x65: {  	_ =	shalt  }
0x66: {  	_ =	shalt  }
0x67: {  	_ =	shalt  }
0x68: {  	_ =	shalt  }
0x69: {  	_ =	shalt  }
0x6a: {  	_ =	shalt  }
0x6b: {  	_ =	shalt  }
0x6c: {  	_ =	shalt  }
0x6d: {  	_ =	shalt  }
0x6e: {  	_ =	shalt  }
0x6f: {  	_ =	shalt  }
0x70: {  	_ =	shalt  }
0x71: {  	_ =	shalt  }
0x72: {  	_ =	shalt  }
0x73: {  	_ =	shalt  }
0x74: {  	_ =	shalt  }
0x75: {  	_ =	shalt  }
0x76: {  	_ =	shalt  }
0x77: {  	_ =	shalt  }
0x78: {  	_ =	shalt  }
0x79: {  	_ =	shalt  }
0x7a: {  	_ =	shalt  }
0x7b: {  	_ =	shalt  }
0x7c: {  	_ =	shalt  }
0x7d: {  	_ =	shalt  }
0x7e: {  	_ =	shalt  }
0x7f: {  	_ =	shalt  }
0x80: {  	_ =	shalt  }
0x81: {  	_ =	shalt  }
0x82: {  	_ =	shalt  }
0x83: {  	_ =	shalt  }
0x84: {  	_ =	shalt  }
0x85: {  	_ =	shalt  }
0x86: {  	_ =	shalt  }
0x87: {  	_ =	shalt  }
.Lfunc_end0:
.L_simem_size_0:
called_computation_lowered:
.L_overlay_start_0:
0x88: {  	s2 =	sld [smem:$0x3FD9]  }
0x89: {  	s3 =	sld [smem:$0x3FFE];
	_ =	sdelay $0x1  }
0x8a: {  	s1 =	srdreg.scid  }
0x8b: {  	s0 =	sand.u32 $0x1, s1  }
0x8c: {  	s17 =	sshll.u32 s0, $0xA;
	s2 =	sadd.s32 s3, s2  }
0x8d: {  	s2 =	sadd.s32 s2, s17  }
0x8e: {  	[smem:$0x3FC5] =	sst s2  }
0x8f: {  	_ = 	snop  }
0x90: {  	s2 =	sld [smem:$0x3FC9]  }
0x91: {  	s18 =	sld [smem:$0x3FD0];
	(tm) =	ssettm $0x1  }
0x92: {  	s4 =	sld [smem:$0x3FFB];
	_ =	sdelay $0x3  }
0x93: {  	_ =	strace s4  }
0x94: {  	s4 =	sld [smem:$0x3FFC];
	_ =	sdelay $0x3  }
0x95: {  	_ =	strace s4  }
0x96: {  	s4 =	sld [smem:$0x3FFD];
	_ =	sdelay $0x3  }
0x97: {  	_ =	strace s4  }
0x98: {  	_ =	strace $0x8FFFFFFF  }
0x99: {  	s19 =	sld [smem:$0x3FDB];
	_ =	sdelay $0x1  }
0x9a: {  	s5 =	simm.s32 $_scs_section_size  }
0x9b: {  	s6 =	simm.s32 $_size__tile_overlayer_lowered;
	s7 =	simm.s32 $_tile_overlayer_lowered  }
0x9c: {  	s22 =	simm.s32 $0x1BFF;
	s21 =	sshll.u32 s7, $0x1;
	s4 =	sadd.s32 s5, s19  }
0x9d: {  	s8 =	simm.s32 $0x0;
	s20 =	sshll.u32 s6, $0x1;
	s6 =	sadd.s32 s21, s4  }
0x9e: {  	[timem:s8], [sflag:s22] =	dma.local [hbm:s6], s20  }
0x9f: {  	_ =	swait.ge [sflag:s22], s20  }
0xa0: {  	s5 =	ssub.s32 $0x0, s20;
	[sflag:s22] =	ssyncset.done $0x0  }
0xa1: {  	[sflag:s22] =	ssyncadd.s32 s5;
	_ =	sdelay $0x1  }
0xa2: {  	s23 =	simm.s32 $0x1B8B  }
0xa3: {  	_ =	swait.ge [sflag:s23], $0x1  }
0xa4: {  	[sflag:s23] =	ssyncset.done $0x0  }
0xa5: {  	s25 =	simm.s32 $0x1B8E;
	s24 =	sld [smem:$0x3FFE];
	[sflag:s23] =	ssyncadd.s32 $0xFFFFFFFF  }
0xa6: {  	s26 =	simm.s32 $execute0_lowered;
	[smem:$0x3FD2] =	sst s25  }
0xa7: {  	s6 =	sshll.u32 s26, $0x1;
	_ =	strace $0x80000046;
	[dreg:$0x1] =	wrdreg $0xFFFFFFFF  }
0xa8: {  	s28 =	simm.s32 $_size_execute0_lowered;
	s4 =	sadd.s32 s4, s6;
	[dreg:$0x0] =	wrdreg $0x0  }
0xa9: {  	s6 =	sshll.u32 s28, $0x1;
	[dreg:$0x2] =	wrdreg s4  }
0xaa: {  	[dreg:$0x3] =	wrdreg s6  }
0xab: {  	[dreg:$0x4] =	wrdreg $0xC0  }
0xac: {  	_ =	task [dreg:s8], $0x5FFFF  }
0xad: {  	[dreg:$0x1] =	wrdreg $0xFFFFFFFF  }
0xae: {  	[dreg:$0x0] =	wrdreg $0x60  }
0xaf: {  	[dreg:$0x2] =	wrdreg s2  }
0xb0: {  	[dreg:$0x3] =	wrdreg s24  }
0xb1: {  	[dreg:$0x4] =	wrdreg s18  }
0xb2: {  	[dreg:$0x5] =	wrdreg $0x9  }
0xb3: {  	_ =	task.clear_ibuf [dreg:s8], $0x6FFFF;
	_ =	strace $0x90000046  }
0xb4: {  	s29 =	simm.s32 $0x9;
	_ =	strace $0x80000048  }
0xb5: {  	_ =	swait.ge [sflag:s29], $0x1  }
0xb6: {  	[sflag:s29] =	ssyncadd.s32 $0xFFFFFFFF  }
0xb7: {  	_ =	strace $0x90000048  }
0xb8: {  	_ =	sfence  }
0xb9: {  	s30 =	sld [smem:$0x0];
	_ =	sdelay $0x2  }
0xba: {  	s31 =	sshll.u32 s1, $0xD;
	s1 =	sshrl.u32 s1, $0x2  }
0xbb: {  	s3 =	sand.u32 $0x4000, s31;
	s1 =	sadd.s32 s1, s30  }
0xbc: {  	s0 =	sor.u32 s3, s0;
	s1 =	sshll.u32 s1, $0x11  }
0xbd: {  	s0 =	sor.u32 s1, s0  }
0xbe: {  	s0 =	sadd.s32 $0x8F2B, s0  }
0xbf: {  	[sflag:s0] =	ssyncadd.remote.s32 $0x1  }
0xc0: {  	_ =	sfence.sel $0xFFFF  }
0xc1: {  	[dreg:$0x0] =	wrdreg $0xFFFFFFFF;
	(pc) =	sbr.abs _section_cstart, $3  }
0xc2: {  	[dreg:$0x1] =	wrdreg $0xFFFFFFFF  }
0xc3: {  	_ =	task.clear_ibuf [dreg:s8], $0x2FFFF;
	_ =	strace $0x9FFFFFFF  }
0xc4: {  	(tm) =	ssettm $0x7FFFFFFF  }
0xc5: {  	_ =	shalt  }
tec
execute0_lowered:
.L_overlay_start_1:
0x0: {  	(tag) =	ssettag $0x1  }
0x1: {  	s0 =	srdreg.scid  }
0x2: {  	s19 =	stileid.u32;
	s3 =	rddreg [dreg:$0x2]  }
0x3: {  	s1 =	simm.s32 $0x0;
	s4 =	sand.u32 $0x1, s0;
	s24 =	sshll.u32 s19, $0x1  }
0x4: {  	[smem:$0x7FF] =	sst s1;
	s14 =	sadd.s32 $0x400, s3;
	s15 =	sadd.s32 $0x800, s3  }
0x5: {  	s16 =	sadd.s32 $0xC00, s3;
	s31 =	sshll.u32 s19, $0x8;
	s2 =	ssub.s32 $0x2, s4  }
0x6: {  	s0 =	sor.u32 s4, s24;
	s28 =	sshll.u32 s4, $0xC;
	s4 =	sshll.u32 s4, $0x7  }
0x7: {  	s5 =	sshrl.u32 s2, $0x1;
	s7 =	sadd.s32 $0x1C, s0;
	s13 =	sshll.u32 s0, $0xC  }
0x8: {  	s4 =	sor.u32 s4, s31;
	s31 =	rddreg [dreg:$0x1];
	s5 =	ssub.s32 s2, s5  }
0x9: {  	s9 =	sor.u32 $0x20, s7;
	s2 =	sadd.s32 s3, s13;
	s29 =	sadd.s32 s13, s14  }
0xa: {  	s30 =	sadd.s32 s13, s15;
	s13 =	sadd.s32 s13, s16;
	s17 =	sshll.u32 s9, $0xC  }
0xb: {  	s26 =	sshll.u32 s19, $0xD;
	[dreg:$0x4] =	wrdreg s13;
	s25 =	sadd.s32 s3, s17  }
0xc: {  	s13 =	sadd.s32 s26, s3;
	s18 =	sadd.s32 s17, s14;
	[dreg:$0x5] =	wrdreg s25  }
0xd: {  	s6 =	sadd.s32 $0x18, s0;
	s13 =	sadd.s32 s28, s13;
	[dreg:$0x6] =	wrdreg s18  }
0xe: {  	s8 =	sand.u32 $0x1F, s6;
	s20 =	sadd.s32 s17, s15;
	[dreg:$0x7] =	wrdreg s13  }
0xf: {  	s10 =	sor.u32 $0x40, s8;
	s17 =	sadd.s32 s17, s16;
	[dreg:$0x8] =	wrdreg s20  }
0x10: {  	s21 =	sshll.u32 s10, $0xC;
	[dreg:$0x9] =	wrdreg s17  }
0x11: {  	s22 =	sadd.s32 s3, s21;
	s18 =	rddreg [dreg:$0x0]  }
0x12: {  	s11 =	sadd.s32 $0x14, s0;
	s23 =	sadd.s32 s21, s14;
	[dreg:$0xa] =	wrdreg s22  }
0x13: {  	s12 =	sor.u32 $0x60, s11;
	s24 =	sadd.s32 s21, s15;
	[dreg:$0xb] =	wrdreg s23  }
0x14: {  	s13 =	sadd.s32 s21, s16;
	s25 =	sshll.u32 s12, $0xC;
	[dreg:$0xc] =	wrdreg s24  }
0x15: {  	[dreg:$0xd] =	wrdreg s13;
	s14 =	sadd.s32 s25, s14  }
0x16: {  	s8 =	sshll.u32 s8, $0xC;
	s26 =	sadd.s32 s25, s15;
	[dreg:$0xe] =	wrdreg s14  }
0x17: {  	s28 =	sadd.s32 s25, s16;
	s20 =	sadd.s32 s3, s25;
	[dreg:$0xf] =	wrdreg s26  }
0x18: {  	s13 =	sadd.s32 $0x600, s31;
	s15 =	sshll.u32 s0, $0x7;
	[dreg:$0x10] =	wrdreg s28  }
0x19: {  	s16 =	sadd.s32 $0x800, s31;
	_ =	strace $0x80000047;
	[dreg:$0x11] =	wrdreg s13  }
0x1a: {  	s3 =	sadd.s32 s8, s3;
	s8 =	sand.u32 $0x780, s15;
	[dreg:$0x12] =	wrdreg s16  }
0x1b: {  	s7 =	sshll.u32 s7, $0x7;
	s17 =	sshrl.u32 s9, $0x4;
	[dreg:$0x13] =	wrdreg s8  }
0x1c: {  	s7 =	sand.u32 $0x780, s7;
	[dreg:$0x14] =	wrdreg s17  }
0x1d: {  	s6 =	sshll.u32 s6, $0x7;
	s21 =	sshrl.u32 s10, $0x4;
	[dreg:$0x15] =	wrdreg s7  }
0x1e: {  	s6 =	sand.u32 $0x780, s6;
	[dreg:$0x16] =	wrdreg s21  }
0x1f: {  	s4 =	sand.u32 $0x780, s4;
	s23 =	sshrl.u32 s12, $0x4;
	[dreg:$0x17] =	wrdreg s6  }
0x20: {  	s5 =	smax.u32 s5, $0x1;
	s22 =	sshll.u32 s11, $0x7;
	[dreg:$0x18] =	wrdreg s23  }
0x21: {  	s24 =	sadd.s32 $0xC, s0;
	s31 =	sshrl.u32 s19, $0x3;
	[dreg:$0x1a] =	wrdreg s5  }
0x22: {  	s25 =	sand.u32 $0xF, s24;
	s3 =	sadd.s32 $0x40000, s3;
	[dreg:$0x1b] =	wrdreg s4  }
0x23: {  	s26 =	sadd.s32 $0x8, s0;
	s0 =	sadd.s32 $0x4, s0;
	[dreg:$0x1d] =	wrdreg s3  }
.Ltmp0:
0x24: {  	s6 =	sand.u32 $0x780, s22;
	[smem:$0x7FD] =	sst s31;
	(pc) =	sbr.rel .LBB2_1-.Ltmp0, $4  }
0x25: {  	s4 =	sshll.u32 s25, $0x7;
	s28 =	sand.u32 $0xF, s26;
	[dreg:$0x19] =	wrdreg s6  }
0x26: {  	s0 =	sand.u32 $0xF, s0;
	[dreg:$0x1c] =	wrdreg s4;
	s3 =	sshll.u32 s28, $0x7  }
0x27: {  	s10 =	simm.s32 $0x8;
	s0 =	sshll.u32 s0, $0x7;
	[dreg:$0x1e] =	wrdreg s3  }
0x28: {  	s14 =	simm.s32 $0x0;
	[dreg:$0x1f] =	wrdreg s0;
	s0 =	simm.s32 $0x18080  }
.LBB2_24:
0x29: {  	s3 =	sand.u32 @!p2 $0xFFFFF00, s7  }
0x2a: {  	s4 =	simm.s32 @!p2 $0xA;
	[sflag:s8] =	ssyncadd.s32 @!p1 $0xFFFFF800;
	p1 =	por p2, p2  }
0x2b: {  	s3 =	sadd.s32 @!p1 s18, s3;
	s6 =	simm.s32 @!p1 $0x0;
	s7 =	simm.s32 @!p1 $0x1A080  }
0x2c: {  	[tilespmem:s7], [sflag:$0xA] =	stream.linear.gather @!p1 [hbm4b:s3+s6], $0x800, $0x38;
	[tilespmem:$0x1A880] =	vst v63  }
0x2d: {  	_ =	swait.ge @!p1 [sflag:s4], $0x800  }
0x2e: {  	[sflag:s4] =	ssyncset.done @!p1 $0x0  }
0x2f: {  	s3 =	simm.s32 @!p1 $0x9;
	[sflag:s4] =	ssyncadd.s32 @!p1 $0xFFFFF800  }
0x30: {  	[hbm4b:s5+s6] =	stream.linear.scatter @!p1 [tilespmem:s7], [sflag:$0x9], $0x800, $0x38;
	[tilespmem:$0x1A880] =	vst v63  }
0x31: {  	_ =	swait.ge @!p1 [sflag:s3], $0x800  }
0x32: {  	s26 =	sld [smem:$0x7F6]  }
0x33: {  	s28 =	sld [smem:$0x7F8]  }
0x34: {  	s31 =	sld [smem:$0x7F9]  }
0x35: {  	[sflag:s3] =	ssyncset.done @!p1 $0x0  }
0x36: {  	[sflag:s3] =	ssyncadd.s32 @!p1 $0xFFFFF800  }
0x37: {  	p3 =	seq.s32 s26, $0x1;
	p5 =	seq.s32 s28, $0x1;
	p2 =	seq.s32 s31, $0x1  }
.LBB2_25:
0x38: {  	s3 =	sld [smem:$0x7FB]  }
0x39: {  	s26 =	sld [smem:$0x7FA];
	_ =	sdelay $0x2  }
0x3a: {  	p4 =	por p3, p3;
	p1 =	seq.s32 s3, $0x1;
	p3 =	seq.s32 s26, $0x1  }
0x3b: {  	p1 =	por !p1, !p3  }
0x3c: {  	p1 =	por !p1, !p1  }
0x3d: {  	s3 =	simm.s32 @p1 $0x5  }
0x3e: {  	_ =	swait.ge @p1 [sflag:s3], $0x8000  }
0x3f: {  	s28 =	sld [smem:$0x7FC];
	_ =	sdelay $0x1  }
0x40: {  	[sflag:s3] =	ssyncset.done @p1 $0x0  }
0x41: {  	[sflag:s3] =	ssyncadd.s32 @p1 $0xFFFF8000;
	p1 =	seq.s32 s28, $0x1  }
0x42: {  	s3 =	simm.s32 @!p1 $0x8  }
0x43: {  	_ =	swait.ge @!p1 [sflag:s3], $0x2000  }
0x44: {  	[sflag:s3] =	ssyncset.done @!p1 $0x0  }
0x45: {  	[sflag:s3] =	ssyncadd.s32 @!p1 $0xFFFFE000  }
0x46: {  	_ =	swait.ge @!p1 [sflag:s3], $0x2000  }
0x47: {  	[sflag:s3] =	ssyncset.done @!p1 $0x0  }
0x48: {  	[sflag:s3] =	ssyncadd.s32 @!p1 $0xFFFFE000  }
0x49: {  	_ =	swait.ge @!p1 [sflag:s3], $0x2000  }
0x4a: {  	[sflag:s3] =	ssyncset.done @!p1 $0x0  }
0x4b: {  	[sflag:s3] =	ssyncadd.s32 @!p1 $0xFFFFE000  }
0x4c: {  	_ =	swait.ge @!p1 [sflag:s3], $0x2000  }
0x4d: {  	[sflag:s3] =	ssyncset.done @!p1 $0x0  }
0x4e: {  	[sflag:s3] =	ssyncadd.s32 @!p1 $0xFFFFE000;
	s3 =	simm.s32 @!p4 $0x6  }
0x4f: {  	_ =	swait.ge @!p4 [sflag:s3], $0x8000  }
0x50: {  	[sflag:s3] =	ssyncset.done @!p4 $0x0  }
0x51: {  	[sflag:s3] =	ssyncadd.s32 @!p4 $0xFFFF8000;
	s3 =	simm.s32 @!p2 $0x8  }
0x52: {  	_ =	swait.ge @!p2 [sflag:s3], $0x2000  }
0x53: {  	[sflag:s3] =	ssyncset.done @!p2 $0x0  }
0x54: {  	[sflag:s3] =	ssyncadd.s32 @!p2 $0xFFFFE000  }
0x55: {  	_ =	swait.ge @!p2 [sflag:s3], $0x2000  }
0x56: {  	[sflag:s3] =	ssyncset.done @!p2 $0x0  }
0x57: {  	[sflag:s3] =	ssyncadd.s32 @!p2 $0xFFFFE000  }
0x58: {  	_ =	swait.ge @!p2 [sflag:s3], $0x2000  }
0x59: {  	[sflag:s3] =	ssyncset.done @!p2 $0x0  }
0x5a: {  	[sflag:s3] =	ssyncadd.s32 @!p2 $0xFFFFE000  }
0x5b: {  	_ =	swait.ge @!p2 [sflag:s3], $0x2000  }
0x5c: {  	[sflag:s3] =	ssyncset.done @!p2 $0x0  }
0x5d: {  	[sflag:s3] =	ssyncadd.s32 @!p2 $0xFFFFE000;
	s3 =	simm.s32 @!p5 $0x7  }
0x5e: {  	_ =	swait.ge @!p5 [sflag:s3], $0x8000  }
0x5f: {  	[sflag:s3] =	ssyncset.done @!p5 $0x0  }
0x60: {  	[sflag:s3] =	ssyncadd.s32 @!p5 $0xFFFF8000;
	s3 =	simm.s32 @!p6 $0x8  }
0x61: {  	_ =	swait.ge @!p6 [sflag:s3], $0x2000  }
0x62: {  	[sflag:s3] =	ssyncset.done @!p6 $0x0  }
0x63: {  	[sflag:s3] =	ssyncadd.s32 @!p6 $0xFFFFE000  }
0x64: {  	_ =	swait.ge @!p6 [sflag:s3], $0x2000  }
0x65: {  	[sflag:s3] =	ssyncset.done @!p6 $0x0  }
0x66: {  	[sflag:s3] =	ssyncadd.s32 @!p6 $0xFFFFE000  }
0x67: {  	_ =	swait.ge @!p6 [sflag:s3], $0x2000  }
0x68: {  	[sflag:s3] =	ssyncset.done @!p6 $0x0  }
0x69: {  	[sflag:s3] =	ssyncadd.s32 @!p6 $0xFFFFE000  }
0x6a: {  	_ =	swait.ge @!p6 [sflag:s3], $0x2000  }
0x6b: {  	s31 =	sld [smem:$0x7F7];
	_ =	sdelay $0x2  }
0x6c: {  	[sflag:s3] =	ssyncset.done @!p6 $0x0;
	p1 =	seq.s32 s31, $0x1  }
0x6d: {  	[sflag:s3] =	ssyncadd.s32 @!p6 $0xFFFFE000;
	s3 =	simm.s32 @p1 $0x5  }
0x6e: {  	_ =	swait.ge @p1 [sflag:s3], $0x8000  }
0x6f: {  	[sflag:s3] =	ssyncset.done @p1 $0x0  }
0x70: {  	[sflag:s3] =	ssyncadd.s32 @p1 $0xFFFF8000;
	s3 =	simm.s32 @!p0 $0x8  }
0x71: {  	_ =	swait.ge @!p0 [sflag:s3], $0x2000  }
0x72: {  	[sflag:s3] =	ssyncset.done @!p0 $0x0  }
0x73: {  	[sflag:s3] =	ssyncadd.s32 @!p0 $0xFFFFE000  }
0x74: {  	_ =	swait.ge @!p0 [sflag:s3], $0x2000  }
0x75: {  	[sflag:s3] =	ssyncset.done @!p0 $0x0  }
0x76: {  	[sflag:s3] =	ssyncadd.s32 @!p0 $0xFFFFE000  }
0x77: {  	_ =	swait.ge @!p0 [sflag:s3], $0x2000  }
0x78: {  	[sflag:s3] =	ssyncset.done @!p0 $0x0  }
0x79: {  	[sflag:s3] =	ssyncadd.s32 @!p0 $0xFFFFE000  }
0x7a: {  	_ =	swait.ge @!p0 [sflag:s3], $0x2000  }
0x7b: {  	s14 =	sadd.s32 $0x1, s14;
	s4 =	rddreg [dreg:$0x1a]  }
0x7c: {  	p1 =	sne.s32 s14, s4  }
.Ltmp1:
0x7d: {  	_ = 	snop;
	(pc) =	sbr.rel @!p1 .LBB2_26-.Ltmp1, $3  }
0x7e: {  	_ =	sdelay $0x1  }
0x7f: {  	[sflag:s3] =	ssyncset.done @!p0 $0x0  }
0x80: {  	[sflag:s3] =	ssyncadd.s32 @!p0 $0xFFFFE000  }
.LBB2_1:
0x81: {  	s3 =	rddreg [dreg:$0x12]  }
0x82: {  	[tilespmem:s0], [sflag:$0x1] =	stream.linear.gather [hbm4b:s3+s1], $0x2000, $0x38;
	[tilespmem:$0x1A880] =	vst v63  }
0x83: {  	s11 =	rddreg [dreg:$0x11];
	s12 =	simm.s32 $0x9  }
0x84: {  	[tilespmem:s1], [sflag:$0x9] =	stream.linear.gather [hbm4b:s11+s1], $0x80, $0x38;
	[tilespmem:$0x1A880] =	vst v63  }
0x85: {  	_ =	swait.ge [sflag:s12], $0x80  }
0x86: {  	[sflag:s12] =	ssyncset.done $0x0;
	s13 =	sld [smem:$0x7FD]  }
0x87: {  	[sflag:s12] =	ssyncadd.s32 $0xFFFFFF80  }
0x88: {  	v0 =	vld [tilespmem:$0x9]  }
0x89: {  	v1 =	vld [tilespmem:s13+$0x0]  }
0x8a: {  	v2 =	vld [tilespmem:s13+$0x1]  }
0x8b: {  	s15 =	rddreg [dreg:$0x14]  }
0x8c: {  	v58 =	vld [tilespmem:s15+$0x0]  }
0x8d: {  	v59 =	vld [tilespmem:s15+$0x1];
	(v2sf) =	vpush v0, $0x0  }
0x8e: {  	(v2sf) =	vpush v1, $0x0  }
0x8f: {  	s16 =	rddreg [dreg:$0x16];
	(v2sf) =	vpush v2, $0x0  }
0x90: {  	v60 =	vld [tilespmem:s16+$0x0]  }
0x91: {  	v61 =	vld [tilespmem:s16+$0x1];
	(v2sf) =	vpush v58, $0x0  }
0x92: {  	(v2sf) =	vpush v59, $0x0;
	_ =	sdelay $0x2  }
0x93: {  	(v2sf) =	vpush v60, $0x0  }
0x94: {  	(v2sf) =	vpush v61, $0x0;
	_ =	sdelay $0x5  }
0x95: {  	s4 =	rddreg [dreg:$0x13];
	s12 =	spop (v2sf)  }
0x96: {  	s21 =	rddreg [dreg:$0x15];
	s5 =	spop (v2sf)  }
0x97: {  	s8 =	rddreg [dreg:$0x18];
	s23 =	ssub.s32 s12, s4;
	s17 =	spop (v2sf)  }
0x98: {  	s4 =	sadd.s32 s4, s5;
	p1 =	sgt.s32 s23, $0x0;
	p0 =	slt.s32 s23, $0x1  }
0x99: {  	s3 =	sadd.s32 s12, s17;
	s15 =	spop (v2sf);
	s23 =	simm.s32 @!p1 $0x0  }
0x9a: {  	s17 =	rddreg [dreg:$0x17];
	s3 =	ssub.s32 s3, s4;
	s7 =	spop (v2sf)  }
0x9b: {  	s6 =	smin.u32 s23, $0x80;
	s13 =	sadd.s32 s21, s15;
	s4 =	ssub.s32 s4, s12  }
0x9c: {  	v62 =	vld [tilespmem:s8+$0x0];
	s31 =	ssub.s32 s12, s17;
	p1 =	sgt.s32 s3, $0x0;
	s19 =	sadd.s32 s12, s7  }
0x9d: {  	v63 =	vld [tilespmem:s8+$0x1];
	s7 =	ssub.s32 s12, s21;
	s8 =	spop (v2sf);
	s3 =	simm.s32 @!p1 $0x0  }
0x9e: {  	p1 =	sgt.s32 s7, $0x0;
	s22 =	spop (v2sf);
	s24 =	smin.u32 s3, $0x80  }
0x9f: {  	s25 =	sadd.s32 s17, s8;
	s3 =	ssub.s32 s19, s13;
	s11 =	smax.u32 s24, s6  }
0xa0: {  	s7 =	simm.s32 @!p1 $0x0;
	p2 =	sgt.s32 s3, $0x0;
	p3 =	seq.s32 s11, $0x80  }
0xa1: {  	s16 =	smin.u32 s7, $0x80;
	s3 =	simm.s32 @!p2 $0x0;
	p0 =	por !p0, !p3  }
0xa2: {  	s9 =	smin.u32 s3, $0x80;
	s3 =	ssub.s32 s13, s12;
	s13 =	sadd.s32 s12, s22  }
0xa3: {  	p6 =	por !p0, !p0;
	s19 =	smax.u32 s9, s16;
	s13 =	ssub.s32 s13, s25  }
0xa4: {  	(v2sf) =	vpush v62, $0x0;
	p0 =	sgt.s32 s31, $0x0;
	p5 =	sne.s32 s19, $0x80;
	s4 =	sshll.u32 @p6 s4, $0x5  }
0xa5: {  	(v2sf) =	vpush v63, $0x0;
	s26 =	simm.s32 @p6 $0x0;
	s28 =	simm.s32 @p6 $0x80;
	s4 =	sand.u32 @p6 $0xFFFFF00, s4  }
0xa6: {  	s31 =	simm.s32 @!p0 $0x0;
	p3 =	por p1, p5;
	s4 =	sadd.s32 @p6 s18, s4  }
0xa7: {  	[tilespmem:s28], [sflag:$0x2] =	stream.linear.gather @p6 [hbm4b:s4+s26], $0x8000, $0x38;
	[tilespmem:$0x1A880] =	vst v63  }
0xa8: {  	p1 =	sgt.s32 s13, $0x0;
	s21 =	smin.u32 s31, $0x80;
	s4 =	sshll.u32 @!p3 s3, $0x5  }
0xa9: {  	s13 =	simm.s32 @!p1 $0x0;
	s22 =	simm.s32 @!p3 $0x8080;
	s4 =	sand.u32 @!p3 $0xFFFFF00, s4  }
0xaa: {  	s3 =	smin.u32 s13, $0x80;
	s13 =	simm.s32 @!p3 $0x0;
	s4 =	sadd.s32 @!p3 s18, s4  }
0xab: {  	[tilespmem:s22], [sflag:$0x3] =	stream.linear.gather @!p3 [hbm4b:s4+s13], $0x8000, $0x38;
	[tilespmem:$0x1A880] =	vst v63  }
0xac: {  	s22 =	smax.u32 s3, s21  }
0xad: {  	p2 =	sne.s32 s22, $0x80  }
0xae: {  	s4 =	ssub.s32 s25, s12;
	p5 =	por p0, p2  }
0xaf: {  	s4 =	sshll.u32 @!p5 s4, $0x5  }
0xb0: {  	s4 =	sand.u32 @!p5 $0xFFFFF00, s4  }
0xb1: {  	s13 =	simm.s32 @!p5 $0x0;
	s25 =	simm.s32 @!p5 $0x10080;
	s4 =	sadd.s32 @!p5 s18, s4  }
0xb2: {  	[tilespmem:s25], [sflag:$0x4] =	stream.linear.gather @!p5 [hbm4b:s4+s13], $0x8000, $0x38;
	[tilespmem:$0x1A880] =	vst v63  }
0xb3: {  	s13 =	spop (v2sf)  }
0xb4: {  	s25 =	simm.s32 $0x1;
	s4 =	spop (v2sf)  }
0xb5: {  	_ =	swait.ge [sflag:s25], $0x2000  }
0xb6: {  	[sflag:s25] =	ssyncset.done $0x0  }
0xb7: {  	[sflag:s25] =	ssyncadd.s32 $0xFFFFE000;
	s25 =	simm.s32 @p6 $0x2  }
0xb8: {  	_ =	swait.ge @p6 [sflag:s25], $0x8000  }
0xb9: {  	[sflag:s25] =	ssyncset.done @p6 $0x0  }
0xba: {  	p1 =	slt.u32 s23, s24;
	[sflag:s25] =	ssyncadd.s32 @p6 $0xFFFF8000  }
0xbb: {  	[hbm4b:s2+s26] =	stream.linear.scatter @p6 [tilespmem:s28], [sflag:$0x5], $0x8000, $0x38;
	[tilespmem:$0x1A880] =	vst v63  }
0xbc: {  	p4 =	sge.u32 s23, s24;
	s25 =	simm.s32 @!p1 $0x0;
	s26 =	simm.s32 @!p1 $0x18080  }
0xbd: {  	[hbm4b:s2+s25] =	stream.linear.scatter @!p1 [tilespmem:s26], [sflag:$0x8], $0x2000, $0x38;
	[tilespmem:$0x1A880] =	vst v63  }
0xbe: {  	p0 =	por p4, p6  }
0xbf: {  	[hbm4b:s29+s25] =	stream.linear.scatter @!p1 [tilespmem:s26], [sflag:$0x8], $0x2000, $0x38;
	[tilespmem:$0x1A880] =	vst v63  }
.Ltmp2:
0xc0: {  	s23 =	simm.s32 @!p1 $0x0;
	(pc) =	sbr.rel @p0 .LBB2_5-.Ltmp2, $4  }
0xc1: {  	s23 =	simm.s32 @p1 $0x1;
	s17 =	rddreg [dreg:$0x4]  }
0xc2: {  	[hbm4b:s30+s25] =	stream.linear.scatter @!p1 [tilespmem:s26], [sflag:$0x8], $0x2000, $0x38;
	[tilespmem:$0x1A880] =	vst v63  }
0xc3: {  	[smem:$0x7FC] =	sst s23  }
0xc4: {  	[hbm4b:s17+s25] =	stream.linear.scatter @!p1 [tilespmem:s26], [sflag:$0x8], $0x2000, $0x38;
	[tilespmem:$0x1A880] =	vst v63  }
0xc5: {  	s23 =	simm.s32 $0x0  }
0xc6: {  	[hbm4b:s2+s23] =	stream.linear.scatter [tilespmem:s0], [sflag:$0x8], $0x2000, $0x38;
	[tilespmem:$0x1A880] =	vst v63  }
0xc7: {  	_ = 	snop  }
0xc8: {  	[hbm4b:s29+s23] =	stream.linear.scatter [tilespmem:s0], [sflag:$0x8], $0x2000, $0x38;
	[tilespmem:$0x1A880] =	vst v63  }
0xc9: {  	_ = 	snop  }
0xca: {  	[hbm4b:s30+s23] =	stream.linear.scatter [tilespmem:s0], [sflag:$0x8], $0x2000, $0x38;
	[tilespmem:$0x1A880] =	vst v63  }
0xcb: {  	s24 =	rddreg [dreg:$0x4]  }
0xcc: {  	[hbm4b:s24+s23] =	stream.linear.scatter [tilespmem:s0], [sflag:$0x8], $0x2000, $0x38;
	[tilespmem:$0x1A880] =	vst v63  }
0xcd: {  	_ =	swait.ge [sflag:s10], $0x2000  }
0xce: {  	[sflag:s10] =	ssyncset.done $0x0  }
0xcf: {  	[sflag:s10] =	ssyncadd.s32 $0xFFFFE000  }
0xd0: {  	_ =	swait.ge [sflag:s10], $0x2000  }
0xd1: {  	[sflag:s10] =	ssyncset.done $0x0  }
0xd2: {  	[sflag:s10] =	ssyncadd.s32 $0xFFFFE000  }
0xd3: {  	_ =	swait.ge [sflag:s10], $0x2000  }
0xd4: {  	[sflag:s10] =	ssyncset.done $0x0  }
0xd5: {  	s1 =	smov.u32 s2;
	s6 =	sadd.s32 $0x7, s6;
	[sflag:s10] =	ssyncadd.s32 $0xFFFFE000  }
0xd6: {  	s11 =	sand.u32 $0xF8, s11;
	s6 =	sand.u32 $0x1F8, s6;
	_ =	swait.ge [sflag:s10], $0x2000  }
0xd7: {  	s2 =	smov.u32 s30;
	p0 =	sgt.u32 s6, $0x0;
	s30 =	rddreg [dreg:$0x1b]  }
0xd8: {  	p1 =	sle.u32 @!p0 s11, $0x0;
	s5 =	sadd.s32 s5, s30  }
0xd9: {  	p0 =	por p1, p0;
	s5 =	ssub.s32 s5, s12  }
0xda: {  	s25 =	simm.s32 @!p0 $0xA;
	[sflag:s10] =	ssyncset.done $0x0;
	s24 =	sshll.u32 s5, $0x5  }
0xdb: {  	[sflag:s10] =	ssyncadd.s32 $0xFFFFE000;
	s5 =	sand.u32 @!p0 $0xFFFFF00, s24;
	p0 =	por p0, p0  }
0xdc: {  	s5 =	sadd.s32 @!p0 s18, s5;
	s26 =	simm.s32 @!p0 $0x0;
	s28 =	simm.s32 @!p0 $0x1A080  }
0xdd: {  	[tilespmem:s28], [sflag:$0xA] =	stream.linear.gather @!p0 [hbm4b:s5+s26], $0x800, $0x38;
	[tilespmem:$0x1A880] =	vst v63  }
0xde: {  	p1 =	sgt.u32 s6, $0x8;
	_ =	swait.ge @!p0 [sflag:s25], $0x800  }
0xdf: {  	s17 =	smov.u32 s29;
	p2 =	sle.u32 @!p1 s11, $0x8;
	[sflag:s25] =	ssyncset.done @!p0 $0x0  }
0xe0: {  	s5 =	rddreg [dreg:$0x7];
	[sflag:s25] =	ssyncadd.s32 @!p0 $0xFFFFF800;
	s25 =	simm.s32 @!p0 $0x9  }
0xe1: {  	[hbm4b:s5+s26] =	stream.linear.scatter @!p0 [tilespmem:s28], [sflag:$0x9], $0x800, $0x38;
	[tilespmem:$0x1A880] =	vst v63  }
0xe2: {  	p1 =	por p2, p1;
	s23 =	simm.s32 $0x10;
	_ =	swait.ge @!p0 [sflag:s25], $0x800  }
0xe3: {  	s24 =	sadd.s32 $0x100, s24;
	s5 =	sadd.s32 $0x100, s5;
	[sflag:s25] =	ssyncset.done @!p0 $0x0  }
.LBB2_3:
0xe4: {  	s26 =	sand.u32 @!p1 $0xFFFFF00, s24;
	s28 =	simm.s32 @!p1 $0xA;
	[sflag:s25] =	ssyncadd.s32 @!p0 $0xFFFFF800  }
0xe5: {  	s29 =	smov.u32 s23;
	p0 =	por p1, p1;
	s23 =	sadd.s32 $0x8, s23  }
0xe6: {  	s25 =	sadd.s32 @!p0 s18, s26;
	s26 =	simm.s32 @!p0 $0x0;
	s30 =	simm.s32 @!p0 $0x1A080  }
0xe7: {  	[tilespmem:s30], [sflag:$0xA] =	stream.linear.gather @!p0 [hbm4b:s25+s26], $0x800, $0x38;
	[tilespmem:$0x1A880] =	vst v63  }
0xe8: {  	p2 =	sne.s32 s23, $0x80;
	_ =	swait.ge @!p0 [sflag:s28], $0x800  }
.Ltmp3:
0xe9: {  	[sflag:s28] =	ssyncset.done @!p0 $0x0;
	(pc) =	sbr.rel @p2 .LBB2_3-.Ltmp3, $4  }
0xea: {  	p1 =	slt.u32 s29, s6;
	s25 =	simm.s32 @!p0 $0x9;
	[sflag:s28] =	ssyncadd.s32 @!p0 $0xFFFFF800  }
0xeb: {  	[hbm4b:s5+s26] =	stream.linear.scatter @!p0 [tilespmem:s30], [sflag:$0x9], $0x800, $0x38;
	[tilespmem:$0x1A880] =	vst v63  }
0xec: {  	p4 =	sge.u32 @!p1 s29, s11;
	s5 =	sadd.s32 $0x100, s5;
	_ =	swait.ge @!p0 [sflag:s25], $0x800  }
0xed: {  	s24 =	sadd.s32 $0x100, s24;
	p1 =	por p4, p1;
	[sflag:s25] =	ssyncset.done @!p0 $0x0  }
0xee: {  	s6 =	sand.u32 @!p1 $0xFFFFF00, s24  }
0xef: {  	s11 =	simm.s32 @!p1 $0xA;
	[sflag:s25] =	ssyncadd.s32 @!p0 $0xFFFFF800;
	p0 =	por p1, p1  }
0xf0: {  	s6 =	sadd.s32 @!p0 s18, s6;
	s23 =	simm.s32 @!p0 $0x0;
	s24 =	simm.s32 @!p0 $0x1A080  }
0xf1: {  	[tilespmem:s24], [sflag:$0xA] =	stream.linear.gather @!p0 [hbm4b:s6+s23], $0x800, $0x38;
	[tilespmem:$0x1A880] =	vst v63  }
0xf2: {  	_ =	swait.ge @!p0 [sflag:s11], $0x800  }
0xf3: {  	[sflag:s11] =	ssyncset.done @!p0 $0x0  }
0xf4: {  	s6 =	simm.s32 @!p0 $0x9;
	[sflag:s11] =	ssyncadd.s32 @!p0 $0xFFFFF800  }
0xf5: {  	[hbm4b:s5+s23] =	stream.linear.scatter @!p0 [tilespmem:s24], [sflag:$0x9], $0x800, $0x38;
	[tilespmem:$0x1A880] =	vst v63  }
0xf6: {  	_ =	swait.ge @!p0 [sflag:s6], $0x800  }
0xf7: {  	s29 =	smov.u32 s17;
	s30 =	smov.u32 s2;
	[sflag:s6] =	ssyncset.done @!p0 $0x0  }
0xf8: {  	s2 =	smov.u32 s1;
	s1 =	simm.s32 $0x0;
	[sflag:s6] =	ssyncadd.s32 @!p0 $0xFFFFF800  }
.LBB2_5:
0xf9: {  	s28 =	rddreg [dreg:$0x19]  }
0xfa: {  	s5 =	sadd.s32 s12, s4;
	s23 =	sadd.s32 s28, s13  }
0xfb: {  	s4 =	ssub.s32 s12, s28;
	s5 =	ssub.s32 s5, s23  }
0xfc: {  	p0 =	sgt.s32 s4, $0x0;
	p2 =	sgt.s32 s5, $0x0  }
0xfd: {  	p1 =	slt.s32 s4, $0x1;
	s4 =	simm.s32 @!p0 $0x0;
	s5 =	simm.s32 @!p2 $0x0  }
0xfe: {  	s6 =	smin.u32 s4, $0x80;
	s5 =	smin.u32 s5, $0x80  }
0xff: {  	s11 =	smax.u32 s5, s6  }
0x100: {  	p4 =	seq.s32 s11, $0x80  }
0x101: {  	p0 =	por !p1, !p4  }
0x102: {  	s17 =	simm.s32 @!p0 $0x0  }
0x103: {  	p4 =	por !p0, !p0;
	s17 =	simm.s32 @p0 $0x1  }
0x104: {  	p0 =	por !p6, !p4;
	[smem:$0x7FA] =	sst s17;
	s17 =	simm.s32 @!p6 $0x0  }
0x105: {  	s23 =	ssub.s32 s23, s12;
	p0 =	por !p0, !p0;
	s17 =	simm.s32 @p6 $0x1  }
.Ltmp4:
0x106: {  	s24 =	simm.s32 @p0 $0x5;
	[smem:$0x7FB] =	sst s17;
	(pc) =	sbr.rel @!p3 .LBB2_11-.Ltmp4, $4  }
0x107: {  	p2 =	slt.u32 s7, s9;
	s23 =	sshll.u32 @p4 s23, $0x5;
	_ =	swait.ge @p0 [sflag:s24], $0x8000  }
0x108: {  	s25 =	simm.s32 @p4 $0x80;
	s23 =	sand.u32 @p4 $0xFFFFF00, s23;
	[sflag:s24] =	ssyncset.done @p0 $0x0  }
0x109: {  	s23 =	sadd.s32 @p4 s18, s23;
	[sflag:s24] =	ssyncadd.s32 @p0 $0xFFFF8000;
	s24 =	simm.s32 @p4 $0x0  }
0x10a: {  	[tilespmem:s25], [sflag:$0x2] =	stream.linear.gather @p4 [hbm4b:s23+s24], $0x8000, $0x38;
	[tilespmem:$0x1A880] =	vst v63  }
.Ltmp5:
0x10b: {  	(pc) =	sbr.rel @!p2 .LBB2_12-.Ltmp5, $1  }
0x10c: {  	_ =	sdelay $0x3  }
0x10d: {  	p0 =	por !p2, !p3  }
0x10e: {  	p0 =	por !p0, !p0  }
.Ltmp6:
0x10f: {  	_ = 	snop;
	(pc) =	sbr.rel @!p0 .LBB2_13-.Ltmp6, $1  }
0x110: {  	_ =	sdelay $0x3  }
0x111: {  	s17 =	rddreg [dreg:$0x5]  }
0x112: {  	s23 =	simm.s32 $0x0;
	s9 =	rddreg [dreg:$0x6]  }
0x113: {  	[hbm4b:s17+s23] =	stream.linear.scatter [tilespmem:s0], [sflag:$0x8], $0x2000, $0x38;
	[tilespmem:$0x1A880] =	vst v63  }
0x114: {  	s7 =	simm.s32 @!p2 $0x0;
	s24 =	rddreg [dreg:$0x8]  }
0x115: {  	[hbm4b:s9+s23] =	stream.linear.scatter [tilespmem:s0], [sflag:$0x8], $0x2000, $0x38;
	[tilespmem:$0x1A880] =	vst v63  }
0x116: {  	s25 =	rddreg [dreg:$0x9];
	s7 =	simm.s32 @p2 $0x1  }
0x117: {  	[hbm4b:s24+s23] =	stream.linear.scatter [tilespmem:s0], [sflag:$0x8], $0x2000, $0x38;
	[tilespmem:$0x1A880] =	vst v63  }
0x118: {  	[smem:$0x7F9] =	sst s7  }
0x119: {  	[hbm4b:s25+s23] =	stream.linear.scatter [tilespmem:s0], [sflag:$0x8], $0x2000, $0x38;
	[tilespmem:$0x1A880] =	vst v63  }
0x11a: {  	_ =	swait.ge [sflag:s10], $0x2000  }
0x11b: {  	[sflag:s10] =	ssyncset.done $0x0  }
0x11c: {  	[sflag:s10] =	ssyncadd.s32 $0xFFFFE000  }
0x11d: {  	_ =	swait.ge [sflag:s10], $0x2000  }
0x11e: {  	[sflag:s10] =	ssyncset.done $0x0  }
0x11f: {  	[sflag:s10] =	ssyncadd.s32 $0xFFFFE000  }
0x120: {  	_ =	swait.ge [sflag:s10], $0x2000  }
0x121: {  	[sflag:s10] =	ssyncset.done $0x0  }
0x122: {  	s26 =	sadd.s32 $0x7, s16;
	[sflag:s10] =	ssyncadd.s32 $0xFFFFE000  }
0x123: {  	s7 =	sand.u32 $0x1F8, s26;
	_ =	swait.ge [sflag:s10], $0x2000  }
0x124: {  	s9 =	sand.u32 $0xF8, s19;
	p0 =	sgt.u32 s7, $0x0;
	s28 =	rddreg [dreg:$0x1c]  }
0x125: {  	p1 =	sle.u32 @!p0 s9, $0x0;
	s15 =	sadd.s32 s15, s28  }
0x126: {  	p0 =	por p1, p0;
	s15 =	ssub.s32 s15, s12  }
0x127: {  	s23 =	simm.s32 @!p0 $0xA;
	[sflag:s10] =	ssyncset.done $0x0;
	s19 =	sshll.u32 s15, $0x5  }
0x128: {  	[sflag:s10] =	ssyncadd.s32 $0xFFFFE000;
	s15 =	sand.u32 @!p0 $0xFFFFF00, s19;
	p0 =	por p0, p0  }
0x129: {  	s15 =	sadd.s32 @!p0 s18, s15;
	s24 =	simm.s32 @!p0 $0x0;
	s25 =	simm.s32 @!p0 $0x1A080  }
0x12a: {  	[tilespmem:s25], [sflag:$0xA] =	stream.linear.gather @!p0 [hbm4b:s15+s24], $0x800, $0x38;
	[tilespmem:$0x1A880] =	vst v63  }
0x12b: {  	_ =	swait.ge @!p0 [sflag:s23], $0x800  }
0x12c: {  	p6 =	por p5, p5;
	p1 =	sgt.u32 s7, $0x8;
	[sflag:s23] =	ssyncset.done @!p0 $0x0  }
0x12d: {  	p2 =	sle.u32 @!p1 s9, $0x8;
	[sflag:s23] =	ssyncadd.s32 @!p0 $0xFFFFF800;
	s23 =	simm.s32 @!p0 $0x9  }
0x12e: {  	[hbm4b:s17+s24] =	stream.linear.scatter @!p0 [tilespmem:s25], [sflag:$0x9], $0x800, $0x38;
	[tilespmem:$0x1A880] =	vst v63  }
0x12f: {  	s16 =	simm.s32 $0x10;
	p1 =	por p2, p1;
	_ =	swait.ge @!p0 [sflag:s23], $0x800  }
0x130: {  	s19 =	sadd.s32 $0x100, s19;
	s15 =	sadd.s32 $0x100, s17;
	[sflag:s23] =	ssyncset.done @!p0 $0x0  }
.LBB2_9:
0x131: {  	s24 =	sand.u32 @!p1 $0xFFFFF00, s19;
	s25 =	simm.s32 @!p1 $0xA;
	[sflag:s23] =	ssyncadd.s32 @!p0 $0xFFFFF800  }
0x132: {  	s26 =	smov.u32 s16;
	p0 =	por p1, p1;
	s16 =	sadd.s32 $0x8, s16  }
0x133: {  	s23 =	sadd.s32 @!p0 s18, s24;
	s24 =	simm.s32 @!p0 $0x0;
	s28 =	simm.s32 @!p0 $0x1A080  }
0x134: {  	[tilespmem:s28], [sflag:$0xA] =	stream.linear.gather @!p0 [hbm4b:s23+s24], $0x800, $0x38;
	[tilespmem:$0x1A880] =	vst v63  }
0x135: {  	p2 =	sne.s32 s16, $0x80;
	_ =	swait.ge @!p0 [sflag:s25], $0x800  }
.Ltmp7:
0x136: {  	[sflag:s25] =	ssyncset.done @!p0 $0x0;
	(pc) =	sbr.rel @p2 .LBB2_9-.Ltmp7, $4  }
0x137: {  	p1 =	slt.u32 s26, s7;
	s23 =	simm.s32 @!p0 $0x9;
	[sflag:s25] =	ssyncadd.s32 @!p0 $0xFFFFF800  }
0x138: {  	[hbm4b:s15+s24] =	stream.linear.scatter @!p0 [tilespmem:s28], [sflag:$0x9], $0x800, $0x38;
	[tilespmem:$0x1A880] =	vst v63  }
0x139: {  	p5 =	sge.u32 @!p1 s26, s9;
	s15 =	sadd.s32 $0x100, s15;
	_ =	swait.ge @!p0 [sflag:s23], $0x800  }
0x13a: {  	s19 =	sadd.s32 $0x100, s19;
	p1 =	por p5, p1;
	[sflag:s23] =	ssyncset.done @!p0 $0x0  }
0x13b: {  	s7 =	sand.u32 @!p1 $0xFFFFF00, s19  }
0x13c: {  	s9 =	simm.s32 @!p1 $0xA;
	[sflag:s23] =	ssyncadd.s32 @!p0 $0xFFFFF800;
	p0 =	por p1, p1  }
0x13d: {  	s7 =	sadd.s32 @!p0 s18, s7;
	s16 =	simm.s32 @!p0 $0x0;
	s19 =	simm.s32 @!p0 $0x1A080  }
0x13e: {  	[tilespmem:s19], [sflag:$0xA] =	stream.linear.gather @!p0 [hbm4b:s7+s16], $0x800, $0x38;
	[tilespmem:$0x1A880] =	vst v63  }
0x13f: {  	_ =	swait.ge @!p0 [sflag:s9], $0x800  }
0x140: {  	[sflag:s9] =	ssyncset.done @!p0 $0x0  }
0x141: {  	s7 =	simm.s32 @!p0 $0x9;
	[sflag:s9] =	ssyncadd.s32 @!p0 $0xFFFFF800  }
0x142: {  	[hbm4b:s15+s16] =	stream.linear.scatter @!p0 [tilespmem:s19], [sflag:$0x9], $0x800, $0x38;
	[tilespmem:$0x1A880] =	vst v63  }
.Ltmp8:
0x143: {  	_ =	swait.ge @!p0 [sflag:s7], $0x800;
	(pc) =	sbr.rel .LBB2_13-.Ltmp8, $3  }
0x144: {  	s28 =	sld [smem:$0x7F9];
	_ =	sdelay $0x1  }
0x145: {  	[sflag:s7] =	ssyncset.done @!p0 $0x0  }
0x146: {  	p5 =	por p6, p6;
	[sflag:s7] =	ssyncadd.s32 @!p0 $0xFFFFF800;
	p2 =	seq.s32 s28, $0x1  }
.LBB2_11:
.Ltmp9:
0x147: {  	s7 =	simm.s32 $0x3;
	(pc) =	sbr.rel @p2 .LBB2_13-.Ltmp9, $4  }
0x148: {  	_ =	swait.ge [sflag:s7], $0x8000  }
0x149: {  	[sflag:s7] =	ssyncset.done $0x0  }
0x14a: {  	s9 =	simm.s32 $0x8080;
	s28 =	rddreg [dreg:$0x5];
	[sflag:s7] =	ssyncadd.s32 $0xFFFF8000  }
0x14b: {  	[hbm4b:s28+s1] =	stream.linear.scatter [tilespmem:s9], [sflag:$0x6], $0x8000, $0x38;
	[tilespmem:$0x1A880] =	vst v63  }
.LBB2_12:
0x14c: {  	s7 =	rddreg [dreg:$0x5]  }
0x14d: {  	[hbm4b:s7+s1] =	stream.linear.scatter [tilespmem:s0], [sflag:$0x8], $0x2000, $0x38;
	[tilespmem:$0x1A880] =	vst v63  }
0x14e: {  	s25 =	rddreg [dreg:$0x6]  }
0x14f: {  	[hbm4b:s25+s1] =	stream.linear.scatter [tilespmem:s0], [sflag:$0x8], $0x2000, $0x38;
	[tilespmem:$0x1A880] =	vst v63  }
0x150: {  	s26 =	rddreg [dreg:$0x8]  }
0x151: {  	[hbm4b:s26+s1] =	stream.linear.scatter [tilespmem:s0], [sflag:$0x8], $0x2000, $0x38;
	[tilespmem:$0x1A880] =	vst v63  }
0x152: {  	s28 =	rddreg [dreg:$0x9]  }
0x153: {  	[hbm4b:s28+s1] =	stream.linear.scatter [tilespmem:s0], [sflag:$0x8], $0x2000, $0x38;
	[tilespmem:$0x1A880] =	vst v63  }
.LBB2_13:
.Ltmp10:
0x154: {  	(pc) =	sbr.rel @!p5 .LBB2_19-.Ltmp10, $2  }
0x155: {  	_ =	sdelay $0x2  }
0x156: {  	p6 =	slt.u32 s31, s3  }
.Ltmp11:
0x157: {  	(pc) =	sbr.rel @!p6 .LBB2_20-.Ltmp11, $1  }
0x158: {  	_ =	sdelay $0x3  }
0x159: {  	p0 =	por !p6, !p5  }
0x15a: {  	p0 =	por !p0, !p0  }
.Ltmp12:
0x15b: {  	_ = 	snop;
	(pc) =	sbr.rel @!p0 .LBB2_21-.Ltmp12, $1  }
0x15c: {  	_ =	sdelay $0x3  }
0x15d: {  	s7 =	rddreg [dreg:$0xa]  }
0x15e: {  	s3 =	simm.s32 @!p2 $0x0;
	s25 =	rddreg [dreg:$0xb]  }
0x15f: {  	s24 =	simm.s32 $0x0;
	s26 =	rddreg [dreg:$0xc];
	s3 =	simm.s32 @p2 $0x1  }
0x160: {  	[hbm4b:s7+s24] =	stream.linear.scatter [tilespmem:s0], [sflag:$0x8], $0x2000, $0x38;
	[tilespmem:$0x1A880] =	vst v63  }
0x161: {  	[smem:$0x7F9] =	sst s3;
	s3 =	simm.s32 @!p5 $0x0  }
0x162: {  	[hbm4b:s25+s24] =	stream.linear.scatter [tilespmem:s0], [sflag:$0x8], $0x2000, $0x38;
	[tilespmem:$0x1A880] =	vst v63  }
0x163: {  	s28 =	rddreg [dreg:$0xd];
	s3 =	simm.s32 @p5 $0x1  }
0x164: {  	[hbm4b:s26+s24] =	stream.linear.scatter [tilespmem:s0], [sflag:$0x8], $0x2000, $0x38;
	[tilespmem:$0x1A880] =	vst v63  }
0x165: {  	[smem:$0x7F8] =	sst s3  }
0x166: {  	[hbm4b:s28+s24] =	stream.linear.scatter [tilespmem:s0], [sflag:$0x8], $0x2000, $0x38;
	[tilespmem:$0x1A880] =	vst v63  }
0x167: {  	_ =	swait.ge [sflag:s10], $0x2000  }
0x168: {  	[sflag:s10] =	ssyncset.done $0x0  }
0x169: {  	[sflag:s10] =	ssyncadd.s32 $0xFFFFE000  }
0x16a: {  	_ =	swait.ge [sflag:s10], $0x2000  }
0x16b: {  	[sflag:s10] =	ssyncset.done $0x0  }
0x16c: {  	[sflag:s10] =	ssyncadd.s32 $0xFFFFE000  }
0x16d: {  	_ =	swait.ge [sflag:s10], $0x2000  }
0x16e: {  	[sflag:s10] =	ssyncset.done $0x0  }
0x16f: {  	s31 =	sadd.s32 $0x7, s21;
	[sflag:s10] =	ssyncadd.s32 $0xFFFFE000  }
0x170: {  	s3 =	sand.u32 $0x1F8, s31;
	_ =	swait.ge [sflag:s10], $0x2000  }
0x171: {  	s7 =	sand.u32 $0xF8, s22;
	p0 =	sgt.u32 s3, $0x0;
	s9 =	rddreg [dreg:$0x1e]  }
0x172: {  	p1 =	sle.u32 @!p0 s7, $0x0;
	s8 =	sadd.s32 s8, s9  }
0x173: {  	p0 =	por p1, p0;
	s8 =	ssub.s32 s8, s12  }
0x174: {  	s16 =	simm.s32 @!p0 $0xA;
	[sflag:s10] =	ssyncset.done $0x0;
	s15 =	sshll.u32 s8, $0x5  }
0x175: {  	[sflag:s10] =	ssyncadd.s32 $0xFFFFE000;
	s8 =	sand.u32 @!p0 $0xFFFFF00, s15;
	p0 =	por p0, p0  }
0x176: {  	s8 =	sadd.s32 @!p0 s18, s8;
	s19 =	simm.s32 @!p0 $0x0;
	s21 =	simm.s32 @!p0 $0x1A080  }
0x177: {  	[tilespmem:s21], [sflag:$0xA] =	stream.linear.gather @!p0 [hbm4b:s8+s19], $0x800, $0x38;
	[tilespmem:$0x1A880] =	vst v63  }
0x178: {  	p1 =	sgt.u32 s3, $0x8;
	_ =	swait.ge @!p0 [sflag:s16], $0x800  }
0x179: {  	p2 =	sle.u32 @!p1 s7, $0x8;
	[sflag:s16] =	ssyncset.done @!p0 $0x0  }
0x17a: {  	s8 =	rddreg [dreg:$0x1d];
	[sflag:s16] =	ssyncadd.s32 @!p0 $0xFFFFF800;
	s16 =	simm.s32 @!p0 $0x9  }
0x17b: {  	[hbm4b:s8+s19] =	stream.linear.scatter @!p0 [tilespmem:s21], [sflag:$0x9], $0x800, $0x38;
	[tilespmem:$0x1A880] =	vst v63  }
0x17c: {  	p1 =	por p2, p1;
	s9 =	simm.s32 $0x10;
	_ =	swait.ge @!p0 [sflag:s16], $0x800  }
0x17d: {  	s15 =	sadd.s32 $0x100, s15;
	s8 =	sadd.s32 $0x100, s8;
	[sflag:s16] =	ssyncset.done @!p0 $0x0  }
.LBB2_17:
0x17e: {  	s19 =	sand.u32 @!p1 $0xFFFFF00, s15;
	s21 =	simm.s32 @!p1 $0xA;
	[sflag:s16] =	ssyncadd.s32 @!p0 $0xFFFFF800  }
0x17f: {  	s22 =	smov.u32 s9;
	p0 =	por p1, p1;
	s9 =	sadd.s32 $0x8, s9  }
0x180: {  	s16 =	sadd.s32 @!p0 s18, s19;
	s19 =	simm.s32 @!p0 $0x0;
	s23 =	simm.s32 @!p0 $0x1A080  }
0x181: {  	[tilespmem:s23], [sflag:$0xA] =	stream.linear.gather @!p0 [hbm4b:s16+s19], $0x800, $0x38;
	[tilespmem:$0x1A880] =	vst v63  }
0x182: {  	p2 =	sne.s32 s9, $0x80;
	_ =	swait.ge @!p0 [sflag:s21], $0x800  }
.Ltmp13:
0x183: {  	[sflag:s21] =	ssyncset.done @!p0 $0x0;
	(pc) =	sbr.rel @p2 .LBB2_17-.Ltmp13, $4  }
0x184: {  	p1 =	slt.u32 s22, s3;
	s16 =	simm.s32 @!p0 $0x9;
	[sflag:s21] =	ssyncadd.s32 @!p0 $0xFFFFF800  }
0x185: {  	[hbm4b:s8+s19] =	stream.linear.scatter @!p0 [tilespmem:s23], [sflag:$0x9], $0x800, $0x38;
	[tilespmem:$0x1A880] =	vst v63  }
0x186: {  	p5 =	sge.u32 @!p1 s22, s7;
	s8 =	sadd.s32 $0x100, s8;
	_ =	swait.ge @!p0 [sflag:s16], $0x800  }
0x187: {  	s15 =	sadd.s32 $0x100, s15;
	p1 =	por p5, p1;
	[sflag:s16] =	ssyncset.done @!p0 $0x0  }
0x188: {  	s3 =	sand.u32 @!p1 $0xFFFFF00, s15  }
0x189: {  	s7 =	simm.s32 @!p1 $0xA;
	[sflag:s16] =	ssyncadd.s32 @!p0 $0xFFFFF800;
	p0 =	por p1, p1  }
0x18a: {  	s3 =	sadd.s32 @!p0 s18, s3;
	s9 =	simm.s32 @!p0 $0x0;
	s15 =	simm.s32 @!p0 $0x1A080  }
0x18b: {  	[tilespmem:s15], [sflag:$0xA] =	stream.linear.gather @!p0 [hbm4b:s3+s9], $0x800, $0x38;
	[tilespmem:$0x1A880] =	vst v63  }
0x18c: {  	_ =	swait.ge @!p0 [sflag:s7], $0x800  }
0x18d: {  	[sflag:s7] =	ssyncset.done @!p0 $0x0  }
0x18e: {  	s3 =	simm.s32 @!p0 $0x9;
	[sflag:s7] =	ssyncadd.s32 @!p0 $0xFFFFF800  }
0x18f: {  	[hbm4b:s8+s9] =	stream.linear.scatter @!p0 [tilespmem:s15], [sflag:$0x9], $0x800, $0x38;
	[tilespmem:$0x1A880] =	vst v63  }
0x190: {  	_ =	swait.ge @!p0 [sflag:s3], $0x800  }
.Ltmp14:
0x191: {  	s28 =	sld [smem:$0x7F8];
	(pc) =	sbr.rel .LBB2_21-.Ltmp14, $3  }
0x192: {  	s31 =	sld [smem:$0x7F9];
	_ =	sdelay $0x1  }
0x193: {  	[sflag:s3] =	ssyncset.done @!p0 $0x0  }
0x194: {  	[sflag:s3] =	ssyncadd.s32 @!p0 $0xFFFFF800;
	p5 =	seq.s32 s28, $0x1;
	p2 =	seq.s32 s31, $0x1  }
.LBB2_19:
.Ltmp15:
0x195: {  	s3 =	simm.s32 $0x4;
	(pc) =	sbr.rel @p6 .LBB2_21-.Ltmp15, $4  }
0x196: {  	_ =	swait.ge [sflag:s3], $0x8000  }
0x197: {  	[sflag:s3] =	ssyncset.done $0x0  }
0x198: {  	s7 =	simm.s32 $0x10080;
	s31 =	rddreg [dreg:$0xa];
	[sflag:s3] =	ssyncadd.s32 $0xFFFF8000  }
0x199: {  	[hbm4b:s31+s1] =	stream.linear.scatter [tilespmem:s7], [sflag:$0x7], $0x8000, $0x38;
	[tilespmem:$0x1A880] =	vst v63  }
.LBB2_20:
0x19a: {  	s3 =	rddreg [dreg:$0xa]  }
0x19b: {  	[hbm4b:s3+s1] =	stream.linear.scatter [tilespmem:s0], [sflag:$0x8], $0x2000, $0x38;
	[tilespmem:$0x1A880] =	vst v63  }
0x19c: {  	s26 =	rddreg [dreg:$0xb]  }
0x19d: {  	[hbm4b:s26+s1] =	stream.linear.scatter [tilespmem:s0], [sflag:$0x8], $0x2000, $0x38;
	[tilespmem:$0x1A880] =	vst v63  }
0x19e: {  	s28 =	rddreg [dreg:$0xc]  }
0x19f: {  	[hbm4b:s28+s1] =	stream.linear.scatter [tilespmem:s0], [sflag:$0x8], $0x2000, $0x38;
	[tilespmem:$0x1A880] =	vst v63  }
0x1a0: {  	s31 =	rddreg [dreg:$0xd]  }
0x1a1: {  	[hbm4b:s31+s1] =	stream.linear.scatter [tilespmem:s0], [sflag:$0x8], $0x2000, $0x38;
	[tilespmem:$0x1A880] =	vst v63  }
.LBB2_21:
0x1a2: {  	s3 =	simm.s32 @p4 $0x2  }
0x1a3: {  	_ =	swait.ge @p4 [sflag:s3], $0x8000  }
0x1a4: {  	s7 =	simm.s32 @p4 $0x80;
	[sflag:s3] =	ssyncset.done @p4 $0x0  }
0x1a5: {  	p0 =	slt.u32 s4, s5;
	[sflag:s3] =	ssyncadd.s32 @p4 $0xFFFF8000;
	s3 =	simm.s32 @p4 $0x0  }
0x1a6: {  	[hbm4b:s20+s3] =	stream.linear.scatter @p4 [tilespmem:s7], [sflag:$0x5], $0x8000, $0x38;
	[tilespmem:$0x1A880] =	vst v63  }
0x1a7: {  	s3 =	simm.s32 @!p0 $0x0;
	s7 =	simm.s32 @!p0 $0x18080  }
0x1a8: {  	[hbm4b:s20+s3] =	stream.linear.scatter @!p0 [tilespmem:s7], [sflag:$0x8], $0x2000, $0x38;
	[tilespmem:$0x1A880] =	vst v63  }
0x1a9: {  	p1 =	sge.u32 s4, s5;
	s8 =	rddreg [dreg:$0xe]  }
0x1aa: {  	[hbm4b:s8+s3] =	stream.linear.scatter @!p0 [tilespmem:s7], [sflag:$0x8], $0x2000, $0x38;
	[tilespmem:$0x1A880] =	vst v63  }
0x1ab: {  	p1 =	por p1, p4;
	s8 =	rddreg [dreg:$0xf]  }
0x1ac: {  	[hbm4b:s8+s3] =	stream.linear.scatter @!p0 [tilespmem:s7], [sflag:$0x8], $0x2000, $0x38;
	[tilespmem:$0x1A880] =	vst v63  }
.Ltmp16:
0x1ad: {  	s4 =	rddreg [dreg:$0x10];
	(pc) =	sbr.rel @p1 .LBB2_25-.Ltmp16, $4  }
0x1ae: {  	[hbm4b:s4+s3] =	stream.linear.scatter @!p0 [tilespmem:s7], [sflag:$0x8], $0x2000, $0x38;
	[tilespmem:$0x1A880] =	vst v63  }
0x1af: {  	s3 =	simm.s32 @!p4 $0x0  }
0x1b0: {  	s3 =	simm.s32 @p4 $0x1  }
0x1b1: {  	[smem:$0x7F7] =	sst s3  }
0x1b2: {  	s3 =	simm.s32 @!p2 $0x0  }
0x1b3: {  	s25 =	simm.s32 $0x0;
	s4 =	rddreg [dreg:$0xe];
	s3 =	simm.s32 @p2 $0x1  }
0x1b4: {  	[hbm4b:s20+s25] =	stream.linear.scatter [tilespmem:s0], [sflag:$0x8], $0x2000, $0x38;
	[tilespmem:$0x1A880] =	vst v63  }
0x1b5: {  	[smem:$0x7F9] =	sst s3;
	s3 =	simm.s32 @!p5 $0x0  }
0x1b6: {  	s26 =	rddreg [dreg:$0xf];
	s3 =	simm.s32 @p5 $0x1  }
0x1b7: {  	[hbm4b:s4+s25] =	stream.linear.scatter [tilespmem:s0], [sflag:$0x8], $0x2000, $0x38;
	[tilespmem:$0x1A880] =	vst v63  }
0x1b8: {  	[smem:$0x7F8] =	sst s3;
	s3 =	simm.s32 @!p3 $0x0  }
0x1b9: {  	s28 =	rddreg [dreg:$0x10];
	s3 =	simm.s32 @p3 $0x1  }
0x1ba: {  	[hbm4b:s26+s25] =	stream.linear.scatter [tilespmem:s0], [sflag:$0x8], $0x2000, $0x38;
	[tilespmem:$0x1A880] =	vst v63  }
0x1bb: {  	[smem:$0x7F6] =	sst s3  }
0x1bc: {  	[hbm4b:s28+s25] =	stream.linear.scatter [tilespmem:s0], [sflag:$0x8], $0x2000, $0x38;
	[tilespmem:$0x1A880] =	vst v63  }
0x1bd: {  	_ =	swait.ge [sflag:s10], $0x2000  }
0x1be: {  	[sflag:s10] =	ssyncset.done $0x0  }
0x1bf: {  	[sflag:s10] =	ssyncadd.s32 $0xFFFFE000  }
0x1c0: {  	_ =	swait.ge [sflag:s10], $0x2000  }
0x1c1: {  	[sflag:s10] =	ssyncset.done $0x0  }
0x1c2: {  	[sflag:s10] =	ssyncadd.s32 $0xFFFFE000  }
0x1c3: {  	_ =	swait.ge [sflag:s10], $0x2000  }
0x1c4: {  	[sflag:s10] =	ssyncset.done $0x0  }
0x1c5: {  	s31 =	sadd.s32 $0x7, s6;
	[sflag:s10] =	ssyncadd.s32 $0xFFFFE000  }
0x1c6: {  	s3 =	sand.u32 $0x1F8, s31;
	_ =	swait.ge [sflag:s10], $0x2000  }
0x1c7: {  	s4 =	sand.u32 $0xF8, s11;
	p1 =	sgt.u32 s3, $0x0;
	s5 =	rddreg [dreg:$0x1f]  }
0x1c8: {  	p2 =	sle.u32 @!p1 s4, $0x0;
	s5 =	sadd.s32 s13, s5  }
0x1c9: {  	p1 =	por p2, p1;
	s5 =	ssub.s32 s5, s12  }
0x1ca: {  	s8 =	simm.s32 @!p1 $0xA;
	[sflag:s10] =	ssyncset.done $0x0;
	s7 =	sshll.u32 s5, $0x5  }
0x1cb: {  	[sflag:s10] =	ssyncadd.s32 $0xFFFFE000;
	s5 =	sand.u32 @!p1 $0xFFFFF00, s7;
	p1 =	por p1, p1  }
0x1cc: {  	s5 =	sadd.s32 @!p1 s18, s5;
	s9 =	simm.s32 @!p1 $0x0;
	s11 =	simm.s32 @!p1 $0x1A080  }
0x1cd: {  	[tilespmem:s11], [sflag:$0xA] =	stream.linear.gather @!p1 [hbm4b:s5+s9], $0x800, $0x38;
	[tilespmem:$0x1A880] =	vst v63  }
0x1ce: {  	_ =	swait.ge @!p1 [sflag:s8], $0x800  }
0x1cf: {  	p2 =	sgt.u32 s3, $0x8;
	[sflag:s8] =	ssyncset.done @!p1 $0x0  }
0x1d0: {  	p5 =	sle.u32 @!p2 s4, $0x8;
	[sflag:s8] =	ssyncadd.s32 @!p1 $0xFFFFF800;
	s8 =	simm.s32 @!p1 $0x9  }
0x1d1: {  	[hbm4b:s20+s9] =	stream.linear.scatter @!p1 [tilespmem:s11], [sflag:$0x9], $0x800, $0x38;
	[tilespmem:$0x1A880] =	vst v63  }
0x1d2: {  	s6 =	simm.s32 $0x10;
	p2 =	por p5, p2;
	_ =	swait.ge @!p1 [sflag:s8], $0x800  }
0x1d3: {  	s7 =	sadd.s32 $0x100, s7;
	s5 =	sadd.s32 $0x100, s20;
	[sflag:s8] =	ssyncset.done @!p1 $0x0  }
.LBB2_23:
0x1d4: {  	s9 =	sand.u32 @!p2 $0xFFFFF00, s7;
	s11 =	simm.s32 @!p2 $0xA;
	[sflag:s8] =	ssyncadd.s32 @!p1 $0xFFFFF800  }
0x1d5: {  	s12 =	smov.u32 s6;
	p1 =	por p2, p2;
	s6 =	sadd.s32 $0x8, s6  }
0x1d6: {  	s8 =	sadd.s32 @!p1 s18, s9;
	s9 =	simm.s32 @!p1 $0x0;
	s13 =	simm.s32 @!p1 $0x1A080  }
0x1d7: {  	[tilespmem:s13], [sflag:$0xA] =	stream.linear.gather @!p1 [hbm4b:s8+s9], $0x800, $0x38;
	[tilespmem:$0x1A880] =	vst v63  }
0x1d8: {  	p5 =	sne.s32 s6, $0x80;
	_ =	swait.ge @!p1 [sflag:s11], $0x800  }
.Ltmp17:
0x1d9: {  	[sflag:s11] =	ssyncset.done @!p1 $0x0;
	(pc) =	sbr.rel @p5 .LBB2_23-.Ltmp17, $4  }
0x1da: {  	p2 =	slt.u32 s12, s3;
	s8 =	simm.s32 @!p1 $0x9;
	[sflag:s11] =	ssyncadd.s32 @!p1 $0xFFFFF800  }
0x1db: {  	[hbm4b:s5+s9] =	stream.linear.scatter @!p1 [tilespmem:s13], [sflag:$0x9], $0x800, $0x38;
	[tilespmem:$0x1A880] =	vst v63  }
0x1dc: {  	p3 =	sge.u32 @!p2 s12, s4;
	s5 =	sadd.s32 $0x100, s5;
	_ =	swait.ge @!p1 [sflag:s8], $0x800  }
0x1dd: {  	s7 =	sadd.s32 $0x100, s7;
	p2 =	por p3, p2;
	[sflag:s8] =	ssyncset.done @!p1 $0x0  }
.Ltmp18:
0x1de: {  	_ = 	snop;
	(pc) =	sbr.rel .LBB2_24-.Ltmp18, $1  }
0x1df: {  	_ =	sdelay $0x3  }
.LBB2_26:
0x1e0: {  	_ =	sfence.sel $0x180000  }
0x1e1: {  	[bflag:$0x0] =	sbarrier.arrive $0xFFFF  }
0x1e2: {  	_ =	strace $0x90000047  }
0x1e3: {  	s0 =	stileid.u32;
	[bflag:$0x2] =	sbarrier.arrive $0xFFFF  }
0x1e4: {  	p0 =	sne.s32 s0, $0x0;
	s0 =	rddreg [dreg:$0x3]  }
0x1e5: {  	s0 =	sadd.s32 @!p0 $0x100000, s0  }
0x1e6: {  	[sflag:s0] =	ssyncadd.tile.s32 @!p0 $0x1;
	_ =	shalt  }
.Lfunc_end2:
_tile_overlayer_lowered:
.L_overlay_start_2:
0x1e7: {  	(tag) =	ssettag $0x2  }
0x1e8: {  	s0 =	rddreg [dreg:$0x0];
	s2 =	stileid.u32  }
0x1e9: {  	s1 =	rddreg [dreg:$0x1];
	p0 =	sne.s32 s2, $0x0  }
0x1ea: {  	s3 =	rddreg [dreg:$0x2];
	[bflag:$0x3] =	sbarrier.arrive $0xFFFF;
	s2 =	simm.s32 @!p0 $0x1C09  }
0x1eb: {  	[timem:s3], [sflag:s2] =	dma.local @!p0 [hbm:s0], s1  }
0x1ec: {  	s0 =	simm.s32 @!p0 $0x9  }
0x1ed: {  	_ =	swait.ge @!p0 [sflag:s0], s1  }
0x1ee: {  	s1 =	ssub.s32 @!p0 $0x0, s1;
	[sflag:s0] =	ssyncset.done @!p0 $0x0  }
0x1ef: {  	[sflag:s0] =	ssyncadd.s32 @!p0 s1  }
0x1f0: {  	[bflag:$0x3] =	sbarrier.arrive $0xFFFF  }
0x1f1: {  	_ =	shalt  }

</sc_bundles>
